<compile_context>
chip_gen: v7x
topology: tpu7x:2x2x1
jax: 0.10.2.dev20260603
libtpu: 0.0.44.dev20260713+nightly
codegen_flags: <defaults>
</compile_context>

<pallas_src>
import functools

import jax
import jax.numpy as jnp
import numpy as np
from jax import lax
from jax.experimental import pallas as pl
from jax.experimental.pallas import tpu as pltpu
from jax.experimental.pallas import tpu_sc as plsc

_N = 4096
_E = 32768
_M = 16

_NC = 2
_NS = 16
_NW = _NC * _NS

_EDGE_BLOCK = 512
_NODE_BLOCK = 1024



def _edge_body(feat_ref, hs_ref, bb_ref,
               w1_ref, b1_ref, g1_ref, be1_ref,
               w2_ref, b2_ref, g2_ref, be2_ref, mg_ref, w3_ref, b3_ref,
               t16_ref, s256_ref, sel_ref, s224_ref, out_ref):
    f32 = jnp.float32

    def mm(a, b):
        return jnp.dot(a, b, preferred_element_type=f32)

    mg = mg_ref[...]

    def ln_relu(y, g, be):
        mu = mm(y, mg)
        var = mm(y * y, mg) - mu * mu
        yn = (y - mu) / jnp.sqrt(var + 1e-5) * g + be
        return jnp.maximum(yn, 0.0)

    y = mm(feat_ref[...], w1_ref[...]) + b1_ref[...]
    y = ln_relu(y, g1_ref[...], be1_ref[...])
    y = mm(y, w2_ref[...]) + b2_ref[...]
    z = ln_relu(y, g2_ref[...], be2_ref[...])
    r = mm(z, w3_ref[...]) + b3_ref[...]

    hs = hs_ref[...]
    t16 = t16_ref[...]
    s256 = s256_ref[...]

    ht = [mm(hs[:, 16 * j:16 * j + 16], t16) for j in range(4)]
    rs = [r[:, 256 * k:256 * k + 256] for k in range(6)]

    prods = [rs[0] * ht[0], rs[1] * ht[0]]
    prods += [rs[2] * ht[1 + mi] for mi in range(3)]
    for f in range(3):
        prods += [rs[3 + f] * ht[1 + mi] for mi in range(3)]
    qall = jnp.concatenate([mm(p, s256) for p in prods], axis=1)

    bt = mm(bb_ref[...], sel_ref[...])
    s224 = s224_ref[...]
    parts = [mm(qall * bt[:, 224 * j:224 * j + 224], s224) for j in range(4)]
    parts.append(jnp.ones((qall.shape[0], 16), f32))
    parts.append(jnp.zeros((qall.shape[0], 48), f32))
    out_ref[...] = jnp.concatenate(parts, axis=1)


def _run_edge(feat, hs, bb, pp, interpret=False):
    bsz = _EDGE_BLOCK
    grid = (_E // bsz,)

    def blk(shape):
        return pl.BlockSpec(shape, lambda i: (i, 0))

    def full(a):
        return pl.BlockSpec(a.shape, lambda i: (0, 0))

    in_specs = [blk((bsz, 32)), blk((bsz, 128)), blk((bsz, 34))]
    in_specs += [full(p) for p in pp]
    return pl.pallas_call(
        _edge_body,
        grid=grid,
        in_specs=in_specs,
        out_specs=blk((bsz, 128)),
        out_shape=jax.ShapeDtypeStruct((_E, 128), jnp.float32),
        compiler_params=pltpu.CompilerParams(
            dimension_semantics=("parallel",)),
        interpret=interpret,
    )(feat, hs, bb, *pp)



def _combine_body(p0_ref, p1_ref, hc_ref, s0t_ref, k1_ref, o0_ref, o1_ref):
    f32 = jnp.float32
    acc = p0_ref[...] + p1_ref[...]
    cnt = acc[:, 64:65]
    denom = jnp.maximum(cnt, 1.0)
    hc = hc_ref[...]
    s0 = jnp.dot(hc[:, 0:16], s0t_ref[...], preferred_element_type=f32)
    s1 = jnp.dot(hc[:, 16:64], k1_ref[...], preferred_element_type=f32)
    o0_ref[...] = (acc[:, 0:16] + cnt * s0) / denom
    o1_ref[...] = (acc[:, 16:64] + cnt * s1) / denom


def _run_combine(part, hcat, s0t, k1, interpret=False):
    bsz = _NODE_BLOCK
    grid = (_N // bsz,)

    def blk(shape):
        return pl.BlockSpec(shape, lambda i: (i, 0))

    def full(a):
        return pl.BlockSpec(a.shape, lambda i: (0, 0))

    return pl.pallas_call(
        _combine_body,
        grid=grid,
        in_specs=[blk((bsz, 128)), blk((bsz, 128)), blk((bsz, 64)),
                  full(s0t), full(k1)],
        out_specs=[blk((bsz, 16)), blk((bsz, 48))],
        out_shape=[jax.ShapeDtypeStruct((_N, 16), jnp.float32),
                   jax.ShapeDtypeStruct((_N, 48), jnp.float32)],
        interpret=interpret,
    )(part[:_N], part[_N:], hcat, s0t, k1)



def _sc_mesh():
    return plsc.VectorSubcoreMesh(core_axis_name="c", subcore_axis_name="s",
                                  num_cores=_NC, num_subcores=_NS)


def _sc_gather(table, idx2d):
    rows_per_w = _E // _NW
    chunks = rows_per_w // 128

    @functools.partial(
        pl.kernel,
        out_type=jax.ShapeDtypeStruct((_E, 128), jnp.float32),
        mesh=_sc_mesh(),
        scratch_types=[pltpu.VMEM((chunks, 128), jnp.int32),
                       pltpu.VMEM((128, 128), jnp.float32),
                       pltpu.VMEM((128, 128), jnp.float32),
                       pltpu.SemaphoreType.DMA,
                       pltpu.SemaphoreType.DMA],
    )
    def gk(table_hbm, idx_hbm, out_hbm, idx_v, row0, row1, sem0, sem1):
        wid = lax.axis_index("s") * _NC + lax.axis_index("c")
        base = wid * rows_per_w
        pltpu.sync_copy(idx_hbm.at[pl.ds(wid * chunks, chunks)], idx_v)
        bufs = (row0, row1)
        sems = (sem0, sem1)
        descs = [None, None]
        for j in range(chunks):
            k = j % 2
            if descs[k] is not None:
                descs[k].wait()
                pltpu.sync_copy(bufs[k], out_hbm.at[pl.ds(base + (j - 2) * 128,
                                                          128)])
            descs[k] = pltpu.async_copy(table_hbm.at[idx_v.at[j]], bufs[k],
                                        sems[k])
        for j in range(chunks - 2, chunks):
            k = j % 2
            descs[k].wait()
            pltpu.sync_copy(bufs[k], out_hbm.at[pl.ds(base + j * 128, 128)])

    return gk(table, idx2d)


def _sc_scatter(msg, idx2d, zeros):
    rows_per_w = _E // _NW
    chunks = rows_per_w // 128
    stripe = _N // _NS

    @functools.partial(
        pl.kernel,
        out_type=jax.ShapeDtypeStruct((2 * _N, 128), jnp.float32),
        mesh=_sc_mesh(),
        scratch_types=[pltpu.VMEM((chunks, 128), jnp.int32),
                       pltpu.VMEM((128, 128), jnp.float32),
                       pltpu.VMEM((128, 128), jnp.float32),
                       pltpu.VMEM_SHARED((_N, 128), jnp.float32),
                       pltpu.SemaphoreType.DMA,
                       pltpu.SemaphoreType.DMA],
    )
    def sk(msg_hbm, idx_hbm, z_hbm, out_hbm, idx_v, buf0, buf1, acc_sh,
           sem0, sem1):
        cid = lax.axis_index("c")
        sid = lax.axis_index("s")
        wid = sid * _NC + cid
        base = wid * rows_per_w
        pltpu.sync_copy(z_hbm.at[pl.ds(sid * stripe, stripe)],
                        acc_sh.at[pl.ds(sid * stripe, stripe)])
        plsc.subcore_barrier()
        pltpu.sync_copy(idx_hbm.at[pl.ds(wid * chunks, chunks)], idx_v)
        bufs = (buf0, buf1)
        sems = (sem0, sem1)
        descs = [None, None]
        for j in range(chunks):
            k = j % 2
            if descs[k] is not None:
                descs[k].wait()
                pltpu.sync_copy(bufs[k], acc_sh.at[idx_v.at[j - 2]], add=True)
            descs[k] = pltpu.async_copy(
                msg_hbm.at[pl.ds(base + j * 128, 128)], bufs[k], sems[k])
        for j in range(chunks - 2, chunks):
            k = j % 2
            descs[k].wait()
            pltpu.sync_copy(bufs[k], acc_sh.at[idx_v.at[j]], add=True)
        plsc.subcore_barrier()
        pltpu.sync_copy(acc_sh.at[pl.ds(sid * stripe, stripe)],
                        out_hbm.at[pl.ds(cid * _N + sid * stripe, stripe)])

    return sk(msg, idx2d, zeros)



def _prep_params(params):
    f32 = jnp.float32
    pairs = ('00', '01', '10', '11')

    w1c = jnp.concatenate(
        [jnp.pad(params[p]['w1'], ((0, 15), (0, 0))) for p in pairs], axis=1)
    b1c = jnp.concatenate([params[p]['b1'] for p in pairs]).reshape(1, 128)
    g1c = jnp.concatenate([params[p]['g1'] for p in pairs]).reshape(1, 128)
    be1c = jnp.concatenate([params[p]['be1'] for p in pairs]).reshape(1, 128)
    b2c = jnp.concatenate([params[p]['b2'] for p in pairs]).reshape(1, 128)
    g2c = jnp.concatenate([params[p]['g2'] for p in pairs]).reshape(1, 128)
    be2c = jnp.concatenate([params[p]['be2'] for p in pairs]).reshape(1, 128)

    w2bd = jnp.zeros((128, 128), f32)
    for k, p in enumerate(pairs):
        w2bd = w2bd.at[32 * k:32 * k + 32, 32 * k:32 * k + 32].set(
            params[p]['w2'])

    mg = jnp.kron(jnp.eye(4, dtype=f32), jnp.full((32, 32), 1.0 / 32.0, f32))

    w3_11 = params['11']['w3'].reshape(32, 16, 16, 3).transpose(0, 3, 1, 2)
    w3_11 = w3_11.reshape(32, 768)
    b3_11 = params['11']['b3'].reshape(16, 16, 3).transpose(2, 0, 1).reshape(768)

    w3bd = jnp.zeros((128, 1536), f32)
    offs = (0, 256, 512, 768)
    mats = (params['00']['w3'], params['01']['w3'], params['10']['w3'], w3_11)
    for k in range(4):
        w3bd = w3bd.at[32 * k:32 * k + 32,
                       offs[k]:offs[k] + mats[k].shape[1]].set(mats[k])
    b3c = jnp.concatenate([params['00']['b3'], params['01']['b3'],
                           params['10']['b3'], b3_11]).reshape(1, 1536)

    t16 = jnp.tile(jnp.eye(16, dtype=f32), (1, 16))
    s256 = jnp.kron(jnp.eye(16, dtype=f32), jnp.ones((16, 1), f32))

    sel_np = np.zeros((34, 4, 224), np.float32)
    for blk, c in ((0, 0), (2, 4), (3, 5), (4, 6)):
        sel_np[c, 0, blk * 16:blk * 16 + 16] = 1.0
    for mo in range(3):
        sel_np[1 + mo, 1 + mo, 16:32] = 1.0
        for f in range(3):
            for mi in range(3):
                blk = 5 + f * 3 + mi
                sel_np[7 + f * 9 + mo * 3 + mi, 1 + mo,
                       blk * 16:blk * 16 + 16] = 1.0
    sel = jnp.asarray(sel_np.reshape(34, 896))
    s224 = jnp.asarray(np.kron(np.ones((14, 1), np.float32),
                               np.eye(16, dtype=np.float32)))

    pp = (w1c, b1c, g1c, be1c, w2bd, b2c, g2c, be2c, mg, w3bd, b3c, t16,
          s256, sel, s224)

    s0t = params['self']['0'][0].T
    k1 = jnp.kron(jnp.eye(3, dtype=f32), params['self']['1'][0].T)
    return pp, s0t, k1


def _prep_edges(h0, h1, w, r, basis_00, basis_01, basis_10, basis_11):
    f32 = jnp.float32
    hcat = jnp.concatenate(
        [h0[:, :, 0], h1[:, :, 0], h1[:, :, 1], h1[:, :, 2]], axis=1)
    feat = jnp.concatenate(
        [w, r, jnp.zeros((_E, 15), f32)], axis=1)
    b11 = basis_11.reshape(_E, 3, 3, 3).transpose(0, 3, 1, 2).reshape(_E, 27)
    bb = jnp.concatenate(
        [basis_00.reshape(_E, 1), basis_01.reshape(_E, 3),
         basis_10.reshape(_E, 3), b11], axis=1)
    return hcat, feat, bb



def kernel(h0, h1, edge_index, w, r, basis_00, basis_01, basis_10, basis_11,
           params):
    hcat, feat, bb = _prep_edges(h0, h1, w, r, basis_00, basis_01,
                                 basis_10, basis_11)
    pp, s0t, k1 = _prep_params(params)

    src2d = edge_index[0].reshape(_E // 128, 128)
    dst2d = edge_index[1].reshape(_E // 128, 128)

    hpad = jnp.pad(hcat, ((0, 0), (0, 64)))
    hs = _sc_gather(hpad, src2d)
    msg = _run_edge(feat, hs, bb, pp)
    part = _sc_scatter(msg, dst2d, jnp.zeros((_N, 128), jnp.float32))
    o0, o1 = _run_combine(part, hcat, s0t, k1)

    out0 = o0.reshape(_N, _M, 1)
    out1 = o1.reshape(_N, 3, _M).transpose(0, 2, 1)
    return out0, out1

# --- scband reference (transcript-rebuilt; emitter-appended) ---
"""Pipeline reference for scband-gconv-se3-18743237279820 (READ-ONLY COPY).

The authoritative reference and input builder live on the scoring server;
editing this copy changes nothing except your own understanding.
"""

import jax, jax.numpy as jnp
import numpy as np

N_NODES = 4096
N_EDGES = 32768
M = 16
EDGE_DIM = 16
DEGREES = (0, 1)


def layer_norm(x, g, b, eps=1e-5):
    mu = jnp.mean(x, axis=-1, keepdims=True)
    var = jnp.mean((x - mu) ** 2, axis=-1, keepdims=True)
    return (x - mu) / jnp.sqrt(var + eps) * g + b


def radial_func(feat, p, num_freq, nc_in, nc_out):
    y = feat @ p['w1'] + p['b1']
    y = jax.nn.relu(layer_norm(y, p['g1'], p['be1']))
    y = y @ p['w2'] + p['b2']
    y = jax.nn.relu(layer_norm(y, p['g2'], p['be2']))
    y = y @ p['w3'] + p['b3']
    return y.reshape(-1, nc_out, 1, nc_in, 1, num_freq)


def pairwise_conv(feat, basis, p, di, do):
    num_freq = 2 * min(di, do) + 1
    R = radial_func(feat, p, num_freq, M, M)
    kernel = jnp.sum(R * basis, -1)
    return kernel.reshape(kernel.shape[0], (2 * do + 1) * M, -1)


def gconv_se3(h0, h1, edge_index, w, r, basis_00, basis_01, basis_10, basis_11, params):
    E = edge_index.shape[1]
    src, dst = edge_index[0], edge_index[1]
    feat = jnp.concatenate([w, r], axis=-1)
    basis = {(0, 0): basis_00, (0, 1): basis_01, (1, 0): basis_10, (1, 1): basis_11}
    kernels = {}
    for di in DEGREES:
        for do in DEGREES:
            kernels[(di, do)] = pairwise_conv(feat, basis[(di, do)], params['%d%d' % (di, do)], di, do)
    h = {0: h0, 1: h1}
    outs = []
    for do in DEGREES:
        msg = 0.0
        for di in DEGREES:
            s = h[di][src].reshape(E, M * (2 * di + 1), 1)
            msg = msg + jnp.matmul(kernels[(di, do)], s)
        msg = msg.reshape(E, -1, 2 * do + 1)
        dst_feat = h[do][dst]
        msg = msg + jnp.matmul(params['self'][str(do)], dst_feat)
        summed = jax.ops.segment_sum(msg, dst, num_segments=N_NODES)
        counts = jax.ops.segment_sum(jnp.ones((E,), msg.dtype), dst, num_segments=N_NODES)
        outs.append(summed / jnp.maximum(counts, 1.0)[:, None, None])
    return tuple(outs)


def _radial_params(key, num_freq, nc_in, nc_out, edge_dim):
    ks = jax.random.split(key, 3)
    mid = 32
    return {
        'w1': jax.random.normal(ks[0], (edge_dim + 1, mid), jnp.float32) / np.sqrt(edge_dim + 1),
        'b1': jnp.zeros((mid,), jnp.float32),
        'g1': jnp.ones((mid,), jnp.float32),
        'be1': jnp.zeros((mid,), jnp.float32),
        'w2': jax.random.normal(ks[1], (mid, mid), jnp.float32) / np.sqrt(mid),
        'b2': jnp.zeros((mid,), jnp.float32),
        'g2': jnp.ones((mid,), jnp.float32),
        'be2': jnp.zeros((mid,), jnp.float32),
        'w3': jax.random.normal(ks[2], (mid, num_freq * nc_in * nc_out), jnp.float32) / np.sqrt(mid),
        'b3': jnp.zeros((num_freq * nc_in * nc_out,), jnp.float32),
    }


def setup_inputs(seed: int = 0):
    key = jax.random.key(seed)
    ks = [jax.random.fold_in(key, i) for i in range(16)]
    h0 = jax.random.normal(ks[0], (N_NODES, M, 1), jnp.float32)
    h1 = jax.random.normal(ks[1], (N_NODES, M, 3), jnp.float32)
    edge_index = jax.random.randint(ks[2], (2, N_EDGES), 0, N_NODES, jnp.int32)
    w = jax.random.normal(ks[3], (N_EDGES, EDGE_DIM), jnp.float32)
    r = jax.random.uniform(ks[4], (N_EDGES, 1), jnp.float32)
    basis_00 = jax.random.normal(ks[5], (N_EDGES, 1, 1, 1, 1, 1), jnp.float32)
    basis_01 = jax.random.normal(ks[6], (N_EDGES, 1, 3, 1, 1, 1), jnp.float32)
    basis_10 = jax.random.normal(ks[7], (N_EDGES, 1, 1, 1, 3, 1), jnp.float32)
    basis_11 = jax.random.normal(ks[8], (N_EDGES, 1, 3, 1, 3, 3), jnp.float32)
    params = {}
    i = 9
    for di in DEGREES:
        for do in DEGREES:
            params['%d%d' % (di, do)] = _radial_params(ks[i], 2 * min(di, do) + 1, M, M, EDGE_DIM)
            i += 1
    params['self'] = {
        '0': jax.random.normal(ks[i], (1, M, M), jnp.float32) / np.sqrt(M),
        '1': jax.random.normal(ks[i + 1], (1, M, M), jnp.float32) / np.sqrt(M),
    }
    return {'h0': h0, 'h1': h1, 'edge_index': edge_index, 'w': w, 'r': r,
            'basis_00': basis_00, 'basis_01': basis_01, 'basis_10': basis_10,
            'basis_11': basis_11, 'params': params}


def reference(h0, h1, edge_index, w, r, basis_00, basis_01, basis_10, basis_11, params):
    return gconv_se3(h0, h1, edge_index, w, r, basis_00, basis_01, basis_10, basis_11, params)

if __name__ == "__main__":
    import jax
    _d = setup_inputs()
    print(jax.jit(kernel)(*tuple(_d.values())))

</pallas_src>

<mosaic_0001>
#map = affine_map<(d0, d1) -> (0, 0)>
module attributes {stable_mosaic.version = 14 : i64} {
  func.func @gk(%arg0: i32, %arg1: i32, %arg2: memref<4096x128xf32, #tpu.memory_space<hbm>>, %arg3: memref<256x128xi32, #tpu.memory_space<hbm>>, %arg4: memref<32768x128xf32, #tpu.memory_space<hbm>>, %arg5: memref<8x128xi32, #tpu.memory_space<vmem>>, %arg6: memref<128x128xf32, #tpu.memory_space<vmem>>, %arg7: memref<128x128xf32, #tpu.memory_space<vmem>>, %arg8: memref<!tpu.dma_semaphore, #tpu.memory_space<semaphore_mem>>, %arg9: memref<!tpu.dma_semaphore, #tpu.memory_space<semaphore_mem>>) attributes {dimension_semantics = [#tpu.dimension_semantics<core_parallel>, #tpu.dimension_semantics<subcore_parallel>], iteration_bounds = array<i64: 2, 16>, scalar_prefetch = 0 : i64, scratch_operands = 5 : i64, tpu.core_type = #tpu.core_type<sc_vector_subcore>, window_params = [{transform_indices = #map}, {transform_indices = #map}, {transform_indices = #map}]} {
    %mul3A = arith.constant 2 : i32
    %mul3A_0 = arith.muli %arg1, %mul3A : i32
    %add3A = arith.addi %mul3A_0, %arg0 : i32
    %mul3A_1 = arith.constant 1024 : i32
    %mul3A_2 = arith.muli %add3A, %mul3A_1 : i32
    %mul3A_3 = arith.constant 8 : i32
    %mul3A_4 = arith.muli %add3A, %mul3A_3 : i32
    "tpu.region"() ({
      %run_scoped3A = tpu.sem_alloc : memref<!tpu.dma_semaphore, #tpu.memory_space<semaphore_mem>>
      %dma_start3A_131 = arith.constant 0 : i32
      %dma_start3A_132 = tpu.memref_slice %arg3[%mul3A_4, %dma_start3A_131] : memref<256x128xi32, #tpu.memory_space<hbm>> -> memref<8x128xi32, #tpu.memory_space<hbm>>
      %dma_start3A_133 = arith.constant 0 : i32
      %dma_start3A_134 = tpu.memref_slice %arg3[%mul3A_4, %dma_start3A_133] : memref<256x128xi32, #tpu.memory_space<hbm>> -> memref<8x128xi32, #tpu.memory_space<hbm>>
      tpu.enqueue_dma source(%dma_start3A_134 : memref<8x128xi32, #tpu.memory_space<hbm>>) target(%arg5 : memref<8x128xi32, #tpu.memory_space<vmem>>) target_semaphore(%run_scoped3A : memref<!tpu.dma_semaphore, #tpu.memory_space<semaphore_mem>>)
      %dma_wait3A_135 = arith.constant 0 : i32
      %dma_wait3A_136 = tpu.memref_slice %arg3[%mul3A_4, %dma_wait3A_135] : memref<256x128xi32, #tpu.memory_space<hbm>> -> memref<8x128xi32, #tpu.memory_space<hbm>>
      %dma_wait3A_137 = arith.constant 0 : i32
      %dma_wait3A_138 = tpu.memref_slice %arg3[%mul3A_4, %dma_wait3A_137] : memref<256x128xi32, #tpu.memory_space<hbm>> -> memref<8x128xi32, #tpu.memory_space<hbm>>
      tpu.wait_dma2 semaphore(%run_scoped3A : memref<!tpu.dma_semaphore, #tpu.memory_space<semaphore_mem>>) src(%dma_wait3A_138 : memref<8x128xi32, #tpu.memory_space<hbm>>) dst(%arg5 : memref<8x128xi32, #tpu.memory_space<vmem>>)
      tpu.yield
    }) : () -> ()
    %dma_start3A = arith.constant 0 : i32
    %dma_start3A_5 = arith.constant 0 : i32
    %dma_start3A_6 = tpu.memref_slice %arg5[%dma_start3A, %dma_start3A_5] : memref<8x128xi32, #tpu.memory_space<vmem>> -> memref<1x128xi32, #tpu.memory_space<vmem>>
    %dma_start3A_7 = tpu.memref_squeeze %dma_start3A_6 : memref<1x128xi32, #tpu.memory_space<vmem>> -> memref<128xi32, #tpu.memory_space<vmem>>
    %dma_start3A_8 = arith.constant 0 : i32
    %dma_start3A_9 = arith.constant 0 : i32
    %dma_start3A_10 = tpu.memref_slice %arg2[%dma_start3A_8, %dma_start3A_9] : memref<4096x128xf32, #tpu.memory_space<hbm>> -> memref<4096x128xf32, #tpu.memory_space<hbm>>
    tpu.enqueue_indirect_dma source(%dma_start3A_10 : memref<4096x128xf32, #tpu.memory_space<hbm>>) target(%arg6 : memref<128x128xf32, #tpu.memory_space<vmem>>) offsets(%dma_start3A_7 : memref<128xi32, #tpu.memory_space<vmem>>) semaphore(%arg8 : memref<!tpu.dma_semaphore, #tpu.memory_space<semaphore_mem>>)
    %dma_start3A_11 = arith.constant 1 : i32
    %dma_start3A_12 = arith.constant 0 : i32
    %dma_start3A_13 = tpu.memref_slice %arg5[%dma_start3A_11, %dma_start3A_12] : memref<8x128xi32, #tpu.memory_space<vmem>> -> memref<1x128xi32, #tpu.memory_space<vmem>>
    %dma_start3A_14 = tpu.memref_squeeze %dma_start3A_13 : memref<1x128xi32, #tpu.memory_space<vmem>> -> memref<128xi32, #tpu.memory_space<vmem>>
    %dma_start3A_15 = arith.constant 0 : i32
    %dma_start3A_16 = arith.constant 0 : i32
    %dma_start3A_17 = tpu.memref_slice %arg2[%dma_start3A_15, %dma_start3A_16] : memref<4096x128xf32, #tpu.memory_space<hbm>> -> memref<4096x128xf32, #tpu.memory_space<hbm>>
    tpu.enqueue_indirect_dma source(%dma_start3A_17 : memref<4096x128xf32, #tpu.memory_space<hbm>>) target(%arg7 : memref<128x128xf32, #tpu.memory_space<vmem>>) offsets(%dma_start3A_14 : memref<128xi32, #tpu.memory_space<vmem>>) semaphore(%arg9 : memref<!tpu.dma_semaphore, #tpu.memory_space<semaphore_mem>>)
    %dma_wait3A = arith.constant 0 : i32
    %dma_wait3A_18 = arith.constant 0 : i32
    %dma_wait3A_19 = tpu.memref_slice %arg5[%dma_wait3A, %dma_wait3A_18] : memref<8x128xi32, #tpu.memory_space<vmem>> -> memref<1x128xi32, #tpu.memory_space<vmem>>
    %dma_wait3A_20 = tpu.memref_squeeze %dma_wait3A_19 : memref<1x128xi32, #tpu.memory_space<vmem>> -> memref<128xi32, #tpu.memory_space<vmem>>
    %dma_wait3A_21 = arith.constant 0 : i32
    %dma_wait3A_22 = arith.constant 0 : i32
    %dma_wait3A_23 = tpu.memref_slice %arg2[%dma_wait3A_21, %dma_wait3A_22] : memref<4096x128xf32, #tpu.memory_space<hbm>> -> memref<4096x128xf32, #tpu.memory_space<hbm>>
    tpu.wait_indirect_dma semaphore(%arg8 : memref<!tpu.dma_semaphore, #tpu.memory_space<semaphore_mem>>) src(%dma_wait3A_23 : memref<4096x128xf32, #tpu.memory_space<hbm>>) dst(%arg6 : memref<128x128xf32, #tpu.memory_space<vmem>>)
    %add3A_24 = arith.constant 0 : i32
    %add3A_25 = arith.addi %mul3A_2, %add3A_24 : i32
    "tpu.region"() ({
      %run_scoped3A = tpu.sem_alloc : memref<!tpu.dma_semaphore, #tpu.memory_space<semaphore_mem>>
      %dma_start3A_131 = arith.constant 0 : i32
      %dma_start3A_132 = tpu.memref_slice %arg4[%add3A_25, %dma_start3A_131] : memref<32768x128xf32, #tpu.memory_space<hbm>> -> memref<128x128xf32, #tpu.memory_space<hbm>>
      %dma_start3A_133 = arith.constant 0 : i32
      %dma_start3A_134 = tpu.memref_slice %arg4[%add3A_25, %dma_start3A_133] : memref<32768x128xf32, #tpu.memory_space<hbm>> -> memref<128x128xf32, #tpu.memory_space<hbm>>
      tpu.enqueue_dma source(%arg6 : memref<128x128xf32, #tpu.memory_space<vmem>>) target(%dma_start3A_134 : memref<128x128xf32, #tpu.memory_space<hbm>>) target_semaphore(%run_scoped3A : memref<!tpu.dma_semaphore, #tpu.memory_space<semaphore_mem>>)
      %dma_wait3A_135 = arith.constant 0 : i32
      %dma_wait3A_136 = tpu.memref_slice %arg4[%add3A_25, %dma_wait3A_135] : memref<32768x128xf32, #tpu.memory_space<hbm>> -> memref<128x128xf32, #tpu.memory_space<hbm>>
      %dma_wait3A_137 = arith.constant 0 : i32
      %dma_wait3A_138 = tpu.memref_slice %arg4[%add3A_25, %dma_wait3A_137] : memref<32768x128xf32, #tpu.memory_space<hbm>> -> memref<128x128xf32, #tpu.memory_space<hbm>>
      tpu.wait_dma2 semaphore(%run_scoped3A : memref<!tpu.dma_semaphore, #tpu.memory_space<semaphore_mem>>) src(%arg6 : memref<128x128xf32, #tpu.memory_space<vmem>>) dst(%dma_wait3A_138 : memref<128x128xf32, #tpu.memory_space<hbm>>)
      tpu.yield
    }) : () -> ()
    %dma_start3A_26 = arith.constant 2 : i32
    %dma_start3A_27 = arith.constant 0 : i32
    %dma_start3A_28 = tpu.memref_slice %arg5[%dma_start3A_26, %dma_start3A_27] : memref<8x128xi32, #tpu.memory_space<vmem>> -> memref<1x128xi32, #tpu.memory_space<vmem>>
    %dma_start3A_29 = tpu.memref_squeeze %dma_start3A_28 : memref<1x128xi32, #tpu.memory_space<vmem>> -> memref<128xi32, #tpu.memory_space<vmem>>
    %dma_start3A_30 = arith.constant 0 : i32
    %dma_start3A_31 = arith.constant 0 : i32
    %dma_start3A_32 = tpu.memref_slice %arg2[%dma_start3A_30, %dma_start3A_31] : memref<4096x128xf32, #tpu.memory_space<hbm>> -> memref<4096x128xf32, #tpu.memory_space<hbm>>
    tpu.enqueue_indirect_dma source(%dma_start3A_32 : memref<4096x128xf32, #tpu.memory_space<hbm>>) target(%arg6 : memref<128x128xf32, #tpu.memory_space<vmem>>) offsets(%dma_start3A_29 : memref<128xi32, #tpu.memory_space<vmem>>) semaphore(%arg8 : memref<!tpu.dma_semaphore, #tpu.memory_space<semaphore_mem>>)
    %dma_wait3A_33 = arith.constant 1 : i32
    %dma_wait3A_34 = arith.constant 0 : i32
    %dma_wait3A_35 = tpu.memref_slice %arg5[%dma_wait3A_33, %dma_wait3A_34] : memref<8x128xi32, #tpu.memory_space<vmem>> -> memref<1x128xi32, #tpu.memory_space<vmem>>
    %dma_wait3A_36 = tpu.memref_squeeze %dma_wait3A_35 : memref<1x128xi32, #tpu.memory_space<vmem>> -> memref<128xi32, #tpu.memory_space<vmem>>
    %dma_wait3A_37 = arith.constant 0 : i32
    %dma_wait3A_38 = arith.constant 0 : i32
    %dma_wait3A_39 = tpu.memref_slice %arg2[%dma_wait3A_37, %dma_wait3A_38] : memref<4096x128xf32, #tpu.memory_space<hbm>> -> memref<4096x128xf32, #tpu.memory_space<hbm>>
    tpu.wait_indirect_dma semaphore(%arg9 : memref<!tpu.dma_semaphore, #tpu.memory_space<semaphore_mem>>) src(%dma_wait3A_39 : memref<4096x128xf32, #tpu.memory_space<hbm>>) dst(%arg7 : memref<128x128xf32, #tpu.memory_space<vmem>>)
    %add3A_40 = arith.constant 128 : i32
    %add3A_41 = arith.addi %mul3A_2, %add3A_40 : i32
    "tpu.region"() ({
      %run_scoped3A = tpu.sem_alloc : memref<!tpu.dma_semaphore, #tpu.memory_space<semaphore_mem>>
      %dma_start3A_131 = arith.constant 0 : i32
      %dma_start3A_132 = tpu.memref_slice %arg4[%add3A_41, %dma_start3A_131] : memref<32768x128xf32, #tpu.memory_space<hbm>> -> memref<128x128xf32, #tpu.memory_space<hbm>>
      %dma_start3A_133 = arith.constant 0 : i32
      %dma_start3A_134 = tpu.memref_slice %arg4[%add3A_41, %dma_start3A_133] : memref<32768x128xf32, #tpu.memory_space<hbm>> -> memref<128x128xf32, #tpu.memory_space<hbm>>
      tpu.enqueue_dma source(%arg7 : memref<128x128xf32, #tpu.memory_space<vmem>>) target(%dma_start3A_134 : memref<128x128xf32, #tpu.memory_space<hbm>>) target_semaphore(%run_scoped3A : memref<!tpu.dma_semaphore, #tpu.memory_space<semaphore_mem>>)
      %dma_wait3A_135 = arith.constant 0 : i32
      %dma_wait3A_136 = tpu.memref_slice %arg4[%add3A_41, %dma_wait3A_135] : memref<32768x128xf32, #tpu.memory_space<hbm>> -> memref<128x128xf32, #tpu.memory_space<hbm>>
      %dma_wait3A_137 = arith.constant 0 : i32
      %dma_wait3A_138 = tpu.memref_slice %arg4[%add3A_41, %dma_wait3A_137] : memref<32768x128xf32, #tpu.memory_space<hbm>> -> memref<128x128xf32, #tpu.memory_space<hbm>>
      tpu.wait_dma2 semaphore(%run_scoped3A : memref<!tpu.dma_semaphore, #tpu.memory_space<semaphore_mem>>) src(%arg7 : memref<128x128xf32, #tpu.memory_space<vmem>>) dst(%dma_wait3A_138 : memref<128x128xf32, #tpu.memory_space<hbm>>)
      tpu.yield
    }) : () -> ()
    %dma_start3A_42 = arith.constant 3 : i32
    %dma_start3A_43 = arith.constant 0 : i32
    %dma_start3A_44 = tpu.memref_slice %arg5[%dma_start3A_42, %dma_start3A_43] : memref<8x128xi32, #tpu.memory_space<vmem>> -> memref<1x128xi32, #tpu.memory_space<vmem>>
    %dma_start3A_45 = tpu.memref_squeeze %dma_start3A_44 : memref<1x128xi32, #tpu.memory_space<vmem>> -> memref<128xi32, #tpu.memory_space<vmem>>
    %dma_start3A_46 = arith.constant 0 : i32
    %dma_start3A_47 = arith.constant 0 : i32
    %dma_start3A_48 = tpu.memref_slice %arg2[%dma_start3A_46, %dma_start3A_47] : memref<4096x128xf32, #tpu.memory_space<hbm>> -> memref<4096x128xf32, #tpu.memory_space<hbm>>
    tpu.enqueue_indirect_dma source(%dma_start3A_48 : memref<4096x128xf32, #tpu.memory_space<hbm>>) target(%arg7 : memref<128x128xf32, #tpu.memory_space<vmem>>) offsets(%dma_start3A_45 : memref<128xi32, #tpu.memory_space<vmem>>) semaphore(%arg9 : memref<!tpu.dma_semaphore, #tpu.memory_space<semaphore_mem>>)
    %dma_wait3A_49 = arith.constant 2 : i32
    %dma_wait3A_50 = arith.constant 0 : i32
    %dma_wait3A_51 = tpu.memref_slice %arg5[%dma_wait3A_49, %dma_wait3A_50] : memref<8x128xi32, #tpu.memory_space<vmem>> -> memref<1x128xi32, #tpu.memory_space<vmem>>
    %dma_wait3A_52 = tpu.memref_squeeze %dma_wait3A_51 : memref<1x128xi32, #tpu.memory_space<vmem>> -> memref<128xi32, #tpu.memory_space<vmem>>
    %dma_wait3A_53 = arith.constant 0 : i32
    %dma_wait3A_54 = arith.constant 0 : i32
    %dma_wait3A_55 = tpu.memref_slice %arg2[%dma_wait3A_53, %dma_wait3A_54] : memref<4096x128xf32, #tpu.memory_space<hbm>> -> memref<4096x128xf32, #tpu.memory_space<hbm>>
    tpu.wait_indirect_dma semaphore(%arg8 : memref<!tpu.dma_semaphore, #tpu.memory_space<semaphore_mem>>) src(%dma_wait3A_55 : memref<4096x128xf32, #tpu.memory_space<hbm>>) dst(%arg6 : memref<128x128xf32, #tpu.memory_space<vmem>>)
    %add3A_56 = arith.constant 256 : i32
    %add3A_57 = arith.addi %mul3A_2, %add3A_56 : i32
    "tpu.region"() ({
      %run_scoped3A = tpu.sem_alloc : memref<!tpu.dma_semaphore, #tpu.memory_space<semaphore_mem>>
      %dma_start3A_131 = arith.constant 0 : i32
      %dma_start3A_132 = tpu.memref_slice %arg4[%add3A_57, %dma_start3A_131] : memref<32768x128xf32, #tpu.memory_space<hbm>> -> memref<128x128xf32, #tpu.memory_space<hbm>>
      %dma_start3A_133 = arith.constant 0 : i32
      %dma_start3A_134 = tpu.memref_slice %arg4[%add3A_57, %dma_start3A_133] : memref<32768x128xf32, #tpu.memory_space<hbm>> -> memref<128x128xf32, #tpu.memory_space<hbm>>
      tpu.enqueue_dma source(%arg6 : memref<128x128xf32, #tpu.memory_space<vmem>>) target(%dma_start3A_134 : memref<128x128xf32, #tpu.memory_space<hbm>>) target_semaphore(%run_scoped3A : memref<!tpu.dma_semaphore, #tpu.memory_space<semaphore_mem>>)
      %dma_wait3A_135 = arith.constant 0 : i32
      %dma_wait3A_136 = tpu.memref_slice %arg4[%add3A_57, %dma_wait3A_135] : memref<32768x128xf32, #tpu.memory_space<hbm>> -> memref<128x128xf32, #tpu.memory_space<hbm>>
      %dma_wait3A_137 = arith.constant 0 : i32
      %dma_wait3A_138 = tpu.memref_slice %arg4[%add3A_57, %dma_wait3A_137] : memref<32768x128xf32, #tpu.memory_space<hbm>> -> memref<128x128xf32, #tpu.memory_space<hbm>>
      tpu.wait_dma2 semaphore(%run_scoped3A : memref<!tpu.dma_semaphore, #tpu.memory_space<semaphore_mem>>) src(%arg6 : memref<128x128xf32, #tpu.memory_space<vmem>>) dst(%dma_wait3A_138 : memref<128x128xf32, #tpu.memory_space<hbm>>)
      tpu.yield
    }) : () -> ()
    %dma_start3A_58 = arith.constant 4 : i32
    %dma_start3A_59 = arith.constant 0 : i32
    %dma_start3A_60 = tpu.memref_slice %arg5[%dma_start3A_58, %dma_start3A_59] : memref<8x128xi32, #tpu.memory_space<vmem>> -> memref<1x128xi32, #tpu.memory_space<vmem>>
    %dma_start3A_61 = tpu.memref_squeeze %dma_start3A_60 : memref<1x128xi32, #tpu.memory_space<vmem>> -> memref<128xi32, #tpu.memory_space<vmem>>
    %dma_start3A_62 = arith.constant 0 : i32
    %dma_start3A_63 = arith.constant 0 : i32
    %dma_start3A_64 = tpu.memref_slice %arg2[%dma_start3A_62, %dma_start3A_63] : memref<4096x128xf32, #tpu.memory_space<hbm>> -> memref<4096x128xf32, #tpu.memory_space<hbm>>
    tpu.enqueue_indirect_dma source(%dma_start3A_64 : memref<4096x128xf32, #tpu.memory_space<hbm>>) target(%arg6 : memref<128x128xf32, #tpu.memory_space<vmem>>) offsets(%dma_start3A_61 : memref<128xi32, #tpu.memory_space<vmem>>) semaphore(%arg8 : memref<!tpu.dma_semaphore, #tpu.memory_space<semaphore_mem>>)
    %dma_wait3A_65 = arith.constant 3 : i32
    %dma_wait3A_66 = arith.constant 0 : i32
    %dma_wait3A_67 = tpu.memref_slice %arg5[%dma_wait3A_65, %dma_wait3A_66] : memref<8x128xi32, #tpu.memory_space<vmem>> -> memref<1x128xi32, #tpu.memory_space<vmem>>
    %dma_wait3A_68 = tpu.memref_squeeze %dma_wait3A_67 : memref<1x128xi32, #tpu.memory_space<vmem>> -> memref<128xi32, #tpu.memory_space<vmem>>
    %dma_wait3A_69 = arith.constant 0 : i32
    %dma_wait3A_70 = arith.constant 0 : i32
    %dma_wait3A_71 = tpu.memref_slice %arg2[%dma_wait3A_69, %dma_wait3A_70] : memref<4096x128xf32, #tpu.memory_space<hbm>> -> memref<4096x128xf32, #tpu.memory_space<hbm>>
    tpu.wait_indirect_dma semaphore(%arg9 : memref<!tpu.dma_semaphore, #tpu.memory_space<semaphore_mem>>) src(%dma_wait3A_71 : memref<4096x128xf32, #tpu.memory_space<hbm>>) dst(%arg7 : memref<128x128xf32, #tpu.memory_space<vmem>>)
    %add3A_72 = arith.constant 384 : i32
    %add3A_73 = arith.addi %mul3A_2, %add3A_72 : i32
    "tpu.region"() ({
      %run_scoped3A = tpu.sem_alloc : memref<!tpu.dma_semaphore, #tpu.memory_space<semaphore_mem>>
      %dma_start3A_131 = arith.constant 0 : i32
      %dma_start3A_132 = tpu.memref_slice %arg4[%add3A_73, %dma_start3A_131] : memref<32768x128xf32, #tpu.memory_space<hbm>> -> memref<128x128xf32, #tpu.memory_space<hbm>>
      %dma_start3A_133 = arith.constant 0 : i32
      %dma_start3A_134 = tpu.memref_slice %arg4[%add3A_73, %dma_start3A_133] : memref<32768x128xf32, #tpu.memory_space<hbm>> -> memref<128x128xf32, #tpu.memory_space<hbm>>
      tpu.enqueue_dma source(%arg7 : memref<128x128xf32, #tpu.memory_space<vmem>>) target(%dma_start3A_134 : memref<128x128xf32, #tpu.memory_space<hbm>>) target_semaphore(%run_scoped3A : memref<!tpu.dma_semaphore, #tpu.memory_space<semaphore_mem>>)
      %dma_wait3A_135 = arith.constant 0 : i32
      %dma_wait3A_136 = tpu.memref_slice %arg4[%add3A_73, %dma_wait3A_135] : memref<32768x128xf32, #tpu.memory_space<hbm>> -> memref<128x128xf32, #tpu.memory_space<hbm>>
      %dma_wait3A_137 = arith.constant 0 : i32
      %dma_wait3A_138 = tpu.memref_slice %arg4[%add3A_73, %dma_wait3A_137] : memref<32768x128xf32, #tpu.memory_space<hbm>> -> memref<128x128xf32, #tpu.memory_space<hbm>>
      tpu.wait_dma2 semaphore(%run_scoped3A : memref<!tpu.dma_semaphore, #tpu.memory_space<semaphore_mem>>) src(%arg7 : memref<128x128xf32, #tpu.memory_space<vmem>>) dst(%dma_wait3A_138 : memref<128x128xf32, #tpu.memory_space<hbm>>)
      tpu.yield
    }) : () -> ()
    %dma_start3A_74 = arith.constant 5 : i32
    %dma_start3A_75 = arith.constant 0 : i32
    %dma_start3A_76 = tpu.memref_slice %arg5[%dma_start3A_74, %dma_start3A_75] : memref<8x128xi32, #tpu.memory_space<vmem>> -> memref<1x128xi32, #tpu.memory_space<vmem>>
    %dma_start3A_77 = tpu.memref_squeeze %dma_start3A_76 : memref<1x128xi32, #tpu.memory_space<vmem>> -> memref<128xi32, #tpu.memory_space<vmem>>
    %dma_start3A_78 = arith.constant 0 : i32
    %dma_start3A_79 = arith.constant 0 : i32
    %dma_start3A_80 = tpu.memref_slice %arg2[%dma_start3A_78, %dma_start3A_79] : memref<4096x128xf32, #tpu.memory_space<hbm>> -> memref<4096x128xf32, #tpu.memory_space<hbm>>
    tpu.enqueue_indirect_dma source(%dma_start3A_80 : memref<4096x128xf32, #tpu.memory_space<hbm>>) target(%arg7 : memref<128x128xf32, #tpu.memory_space<vmem>>) offsets(%dma_start3A_77 : memref<128xi32, #tpu.memory_space<vmem>>) semaphore(%arg9 : memref<!tpu.dma_semaphore, #tpu.memory_space<semaphore_mem>>)
    %dma_wait3A_81 = arith.constant 4 : i32
    %dma_wait3A_82 = arith.constant 0 : i32
    %dma_wait3A_83 = tpu.memref_slice %arg5[%dma_wait3A_81, %dma_wait3A_82] : memref<8x128xi32, #tpu.memory_space<vmem>> -> memref<1x128xi32, #tpu.memory_space<vmem>>
    %dma_wait3A_84 = tpu.memref_squeeze %dma_wait3A_83 : memref<1x128xi32, #tpu.memory_space<vmem>> -> memref<128xi32, #tpu.memory_space<vmem>>
    %dma_wait3A_85 = arith.constant 0 : i32
    %dma_wait3A_86 = arith.constant 0 : i32
    %dma_wait3A_87 = tpu.memref_slice %arg2[%dma_wait3A_85, %dma_wait3A_86] : memref<4096x128xf32, #tpu.memory_space<hbm>> -> memref<4096x128xf32, #tpu.memory_space<hbm>>
    tpu.wait_indirect_dma semaphore(%arg8 : memref<!tpu.dma_semaphore, #tpu.memory_space<semaphore_mem>>) src(%dma_wait3A_87 : memref<4096x128xf32, #tpu.memory_space<hbm>>) dst(%arg6 : memref<128x128xf32, #tpu.memory_space<vmem>>)
    %add3A_88 = arith.constant 512 : i32
    %add3A_89 = arith.addi %mul3A_2, %add3A_88 : i32
    "tpu.region"() ({
      %run_scoped3A = tpu.sem_alloc : memref<!tpu.dma_semaphore, #tpu.memory_space<semaphore_mem>>
      %dma_start3A_131 = arith.constant 0 : i32
      %dma_start3A_132 = tpu.memref_slice %arg4[%add3A_89, %dma_start3A_131] : memref<32768x128xf32, #tpu.memory_space<hbm>> -> memref<128x128xf32, #tpu.memory_space<hbm>>
      %dma_start3A_133 = arith.constant 0 : i32
      %dma_start3A_134 = tpu.memref_slice %arg4[%add3A_89, %dma_start3A_133] : memref<32768x128xf32, #tpu.memory_space<hbm>> -> memref<128x128xf32, #tpu.memory_space<hbm>>
      tpu.enqueue_dma source(%arg6 : memref<128x128xf32, #tpu.memory_space<vmem>>) target(%dma_start3A_134 : memref<128x128xf32, #tpu.memory_space<hbm>>) target_semaphore(%run_scoped3A : memref<!tpu.dma_semaphore, #tpu.memory_space<semaphore_mem>>)
      %dma_wait3A_135 = arith.constant 0 : i32
      %dma_wait3A_136 = tpu.memref_slice %arg4[%add3A_89, %dma_wait3A_135] : memref<32768x128xf32, #tpu.memory_space<hbm>> -> memref<128x128xf32, #tpu.memory_space<hbm>>
      %dma_wait3A_137 = arith.constant 0 : i32
      %dma_wait3A_138 = tpu.memref_slice %arg4[%add3A_89, %dma_wait3A_137] : memref<32768x128xf32, #tpu.memory_space<hbm>> -> memref<128x128xf32, #tpu.memory_space<hbm>>
      tpu.wait_dma2 semaphore(%run_scoped3A : memref<!tpu.dma_semaphore, #tpu.memory_space<semaphore_mem>>) src(%arg6 : memref<128x128xf32, #tpu.memory_space<vmem>>) dst(%dma_wait3A_138 : memref<128x128xf32, #tpu.memory_space<hbm>>)
      tpu.yield
    }) : () -> ()
    %dma_start3A_90 = arith.constant 6 : i32
    %dma_start3A_91 = arith.constant 0 : i32
    %dma_start3A_92 = tpu.memref_slice %arg5[%dma_start3A_90, %dma_start3A_91] : memref<8x128xi32, #tpu.memory_space<vmem>> -> memref<1x128xi32, #tpu.memory_space<vmem>>
    %dma_start3A_93 = tpu.memref_squeeze %dma_start3A_92 : memref<1x128xi32, #tpu.memory_space<vmem>> -> memref<128xi32, #tpu.memory_space<vmem>>
    %dma_start3A_94 = arith.constant 0 : i32
    %dma_start3A_95 = arith.constant 0 : i32
    %dma_start3A_96 = tpu.memref_slice %arg2[%dma_start3A_94, %dma_start3A_95] : memref<4096x128xf32, #tpu.memory_space<hbm>> -> memref<4096x128xf32, #tpu.memory_space<hbm>>
    tpu.enqueue_indirect_dma source(%dma_start3A_96 : memref<4096x128xf32, #tpu.memory_space<hbm>>) target(%arg6 : memref<128x128xf32, #tpu.memory_space<vmem>>) offsets(%dma_start3A_93 : memref<128xi32, #tpu.memory_space<vmem>>) semaphore(%arg8 : memref<!tpu.dma_semaphore, #tpu.memory_space<semaphore_mem>>)
    %dma_wait3A_97 = arith.constant 5 : i32
    %dma_wait3A_98 = arith.constant 0 : i32
    %dma_wait3A_99 = tpu.memref_slice %arg5[%dma_wait3A_97, %dma_wait3A_98] : memref<8x128xi32, #tpu.memory_space<vmem>> -> memref<1x128xi32, #tpu.memory_space<vmem>>
    %dma_wait3A_100 = tpu.memref_squeeze %dma_wait3A_99 : memref<1x128xi32, #tpu.memory_space<vmem>> -> memref<128xi32, #tpu.memory_space<vmem>>
    %dma_wait3A_101 = arith.constant 0 : i32
    %dma_wait3A_102 = arith.constant 0 : i32
    %dma_wait3A_103 = tpu.memref_slice %arg2[%dma_wait3A_101, %dma_wait3A_102] : memref<4096x128xf32, #tpu.memory_space<hbm>> -> memref<4096x128xf32, #tpu.memory_space<hbm>>
    tpu.wait_indirect_dma semaphore(%arg9 : memref<!tpu.dma_semaphore, #tpu.memory_space<semaphore_mem>>) src(%dma_wait3A_103 : memref<4096x128xf32, #tpu.memory_space<hbm>>) dst(%arg7 : memref<128x128xf32, #tpu.memory_space<vmem>>)
    %add3A_104 = arith.constant 640 : i32
    %add3A_105 = arith.addi %mul3A_2, %add3A_104 : i32
    "tpu.region"() ({
      %run_scoped3A = tpu.sem_alloc : memref<!tpu.dma_semaphore, #tpu.memory_space<semaphore_mem>>
      %dma_start3A_131 = arith.constant 0 : i32
      %dma_start3A_132 = tpu.memref_slice %arg4[%add3A_105, %dma_start3A_131] : memref<32768x128xf32, #tpu.memory_space<hbm>> -> memref<128x128xf32, #tpu.memory_space<hbm>>
      %dma_start3A_133 = arith.constant 0 : i32
      %dma_start3A_134 = tpu.memref_slice %arg4[%add3A_105, %dma_start3A_133] : memref<32768x128xf32, #tpu.memory_space<hbm>> -> memref<128x128xf32, #tpu.memory_space<hbm>>
      tpu.enqueue_dma source(%arg7 : memref<128x128xf32, #tpu.memory_space<vmem>>) target(%dma_start3A_134 : memref<128x128xf32, #tpu.memory_space<hbm>>) target_semaphore(%run_scoped3A : memref<!tpu.dma_semaphore, #tpu.memory_space<semaphore_mem>>)
      %dma_wait3A_135 = arith.constant 0 : i32
      %dma_wait3A_136 = tpu.memref_slice %arg4[%add3A_105, %dma_wait3A_135] : memref<32768x128xf32, #tpu.memory_space<hbm>> -> memref<128x128xf32, #tpu.memory_space<hbm>>
      %dma_wait3A_137 = arith.constant 0 : i32
      %dma_wait3A_138 = tpu.memref_slice %arg4[%add3A_105, %dma_wait3A_137] : memref<32768x128xf32, #tpu.memory_space<hbm>> -> memref<128x128xf32, #tpu.memory_space<hbm>>
      tpu.wait_dma2 semaphore(%run_scoped3A : memref<!tpu.dma_semaphore, #tpu.memory_space<semaphore_mem>>) src(%arg7 : memref<128x128xf32, #tpu.memory_space<vmem>>) dst(%dma_wait3A_138 : memref<128x128xf32, #tpu.memory_space<hbm>>)
      tpu.yield
    }) : () -> ()
    %dma_start3A_106 = arith.constant 7 : i32
    %dma_start3A_107 = arith.constant 0 : i32
    %dma_start3A_108 = tpu.memref_slice %arg5[%dma_start3A_106, %dma_start3A_107] : memref<8x128xi32, #tpu.memory_space<vmem>> -> memref<1x128xi32, #tpu.memory_space<vmem>>
    %dma_start3A_109 = tpu.memref_squeeze %dma_start3A_108 : memref<1x128xi32, #tpu.memory_space<vmem>> -> memref<128xi32, #tpu.memory_space<vmem>>
    %dma_start3A_110 = arith.constant 0 : i32
    %dma_start3A_111 = arith.constant 0 : i32
    %dma_start3A_112 = tpu.memref_slice %arg2[%dma_start3A_110, %dma_start3A_111] : memref<4096x128xf32, #tpu.memory_space<hbm>> -> memref<4096x128xf32, #tpu.memory_space<hbm>>
    tpu.enqueue_indirect_dma source(%dma_start3A_112 : memref<4096x128xf32, #tpu.memory_space<hbm>>) target(%arg7 : memref<128x128xf32, #tpu.memory_space<vmem>>) offsets(%dma_start3A_109 : memref<128xi32, #tpu.memory_space<vmem>>) semaphore(%arg9 : memref<!tpu.dma_semaphore, #tpu.memory_space<semaphore_mem>>)
    %dma_wait3A_113 = arith.constant 6 : i32
    %dma_wait3A_114 = arith.constant 0 : i32
    %dma_wait3A_115 = tpu.memref_slice %arg5[%dma_wait3A_113, %dma_wait3A_114] : memref<8x128xi32, #tpu.memory_space<vmem>> -> memref<1x128xi32, #tpu.memory_space<vmem>>
    %dma_wait3A_116 = tpu.memref_squeeze %dma_wait3A_115 : memref<1x128xi32, #tpu.memory_space<vmem>> -> memref<128xi32, #tpu.memory_space<vmem>>
    %dma_wait3A_117 = arith.constant 0 : i32
    %dma_wait3A_118 = arith.constant 0 : i32
    %dma_wait3A_119 = tpu.memref_slice %arg2[%dma_wait3A_117, %dma_wait3A_118] : memref<4096x128xf32, #tpu.memory_space<hbm>> -> memref<4096x128xf32, #tpu.memory_space<hbm>>
    tpu.wait_indirect_dma semaphore(%arg8 : memref<!tpu.dma_semaphore, #tpu.memory_space<semaphore_mem>>) src(%dma_wait3A_119 : memref<4096x128xf32, #tpu.memory_space<hbm>>) dst(%arg6 : memref<128x128xf32, #tpu.memory_space<vmem>>)
    %add3A_120 = arith.constant 768 : i32
    %add3A_121 = arith.addi %mul3A_2, %add3A_120 : i32
    "tpu.region"() ({
      %run_scoped3A = tpu.sem_alloc : memref<!tpu.dma_semaphore, #tpu.memory_space<semaphore_mem>>
      %dma_start3A_131 = arith.constant 0 : i32
      %dma_start3A_132 = tpu.memref_slice %arg4[%add3A_121, %dma_start3A_131] : memref<32768x128xf32, #tpu.memory_space<hbm>> -> memref<128x128xf32, #tpu.memory_space<hbm>>
      %dma_start3A_133 = arith.constant 0 : i32
      %dma_start3A_134 = tpu.memref_slice %arg4[%add3A_121, %dma_start3A_133] : memref<32768x128xf32, #tpu.memory_space<hbm>> -> memref<128x128xf32, #tpu.memory_space<hbm>>
      tpu.enqueue_dma source(%arg6 : memref<128x128xf32, #tpu.memory_space<vmem>>) target(%dma_start3A_134 : memref<128x128xf32, #tpu.memory_space<hbm>>) target_semaphore(%run_scoped3A : memref<!tpu.dma_semaphore, #tpu.memory_space<semaphore_mem>>)
      %dma_wait3A_135 = arith.constant 0 : i32
      %dma_wait3A_136 = tpu.memref_slice %arg4[%add3A_121, %dma_wait3A_135] : memref<32768x128xf32, #tpu.memory_space<hbm>> -> memref<128x128xf32, #tpu.memory_space<hbm>>
      %dma_wait3A_137 = arith.constant 0 : i32
      %dma_wait3A_138 = tpu.memref_slice %arg4[%add3A_121, %dma_wait3A_137] : memref<32768x128xf32, #tpu.memory_space<hbm>> -> memref<128x128xf32, #tpu.memory_space<hbm>>
      tpu.wait_dma2 semaphore(%run_scoped3A : memref<!tpu.dma_semaphore, #tpu.memory_space<semaphore_mem>>) src(%arg6 : memref<128x128xf32, #tpu.memory_space<vmem>>) dst(%dma_wait3A_138 : memref<128x128xf32, #tpu.memory_space<hbm>>)
      tpu.yield
    }) : () -> ()
    %dma_wait3A_122 = arith.constant 7 : i32
    %dma_wait3A_123 = arith.constant 0 : i32
    %dma_wait3A_124 = tpu.memref_slice %arg5[%dma_wait3A_122, %dma_wait3A_123] : memref<8x128xi32, #tpu.memory_space<vmem>> -> memref<1x128xi32, #tpu.memory_space<vmem>>
    %dma_wait3A_125 = tpu.memref_squeeze %dma_wait3A_124 : memref<1x128xi32, #tpu.memory_space<vmem>> -> memref<128xi32, #tpu.memory_space<vmem>>
    %dma_wait3A_126 = arith.constant 0 : i32
    %dma_wait3A_127 = arith.constant 0 : i32
    %dma_wait3A_128 = tpu.memref_slice %arg2[%dma_wait3A_126, %dma_wait3A_127] : memref<4096x128xf32, #tpu.memory_space<hbm>> -> memref<4096x128xf32, #tpu.memory_space<hbm>>
    tpu.wait_indirect_dma semaphore(%arg9 : memref<!tpu.dma_semaphore, #tpu.memory_space<semaphore_mem>>) src(%dma_wait3A_128 : memref<4096x128xf32, #tpu.memory_space<hbm>>) dst(%arg7 : memref<128x128xf32, #tpu.memory_space<vmem>>)
    %add3A_129 = arith.constant 896 : i32
    %add3A_130 = arith.addi %mul3A_2, %add3A_129 : i32
    "tpu.region"() ({
      %run_scoped3A = tpu.sem_alloc : memref<!tpu.dma_semaphore, #tpu.memory_space<semaphore_mem>>
      %dma_start3A_131 = arith.constant 0 : i32
      %dma_start3A_132 = tpu.memref_slice %arg4[%add3A_130, %dma_start3A_131] : memref<32768x128xf32, #tpu.memory_space<hbm>> -> memref<128x128xf32, #tpu.memory_space<hbm>>
      %dma_start3A_133 = arith.constant 0 : i32
      %dma_start3A_134 = tpu.memref_slice %arg4[%add3A_130, %dma_start3A_133] : memref<32768x128xf32, #tpu.memory_space<hbm>> -> memref<128x128xf32, #tpu.memory_space<hbm>>
      tpu.enqueue_dma source(%arg7 : memref<128x128xf32, #tpu.memory_space<vmem>>) target(%dma_start3A_134 : memref<128x128xf32, #tpu.memory_space<hbm>>) target_semaphore(%run_scoped3A : memref<!tpu.dma_semaphore, #tpu.memory_space<semaphore_mem>>)
      %dma_wait3A_135 = arith.constant 0 : i32
      %dma_wait3A_136 = tpu.memref_slice %arg4[%add3A_130, %dma_wait3A_135] : memref<32768x128xf32, #tpu.memory_space<hbm>> -> memref<128x128xf32, #tpu.memory_space<hbm>>
      %dma_wait3A_137 = arith.constant 0 : i32
      %dma_wait3A_138 = tpu.memref_slice %arg4[%add3A_130, %dma_wait3A_137] : memref<32768x128xf32, #tpu.memory_space<hbm>> -> memref<128x128xf32, #tpu.memory_space<hbm>>
      tpu.wait_dma2 semaphore(%run_scoped3A : memref<!tpu.dma_semaphore, #tpu.memory_space<semaphore_mem>>) src(%arg7 : memref<128x128xf32, #tpu.memory_space<vmem>>) dst(%dma_wait3A_138 : memref<128x128xf32, #tpu.memory_space<hbm>>)
      tpu.yield
    }) : () -> ()
    return
  }
}

#map = affine_map<(d0, d1) -> (0, 0)>
module attributes {stable_mosaic.version = 14 : i64} {
  func.func @sk(%arg0: i32, %arg1: i32, %arg2: memref<32768x128xf32, #tpu.memory_space<hbm>>, %arg3: memref<256x128xi32, #tpu.memory_space<hbm>>, %arg4: memref<4096x128xf32, #tpu.memory_space<hbm>>, %arg5: memref<8192x128xf32, #tpu.memory_space<hbm>>, %arg6: memref<8x128xi32, #tpu.memory_space<vmem>>, %arg7: memref<128x128xf32, #tpu.memory_space<vmem>>, %arg8: memref<128x128xf32, #tpu.memory_space<vmem>>, %arg9: memref<4096x128xf32, #tpu.memory_space<vmem_shared>>, %arg10: memref<!tpu.dma_semaphore, #tpu.memory_space<semaphore_mem>>, %arg11: memref<!tpu.dma_semaphore, #tpu.memory_space<semaphore_mem>>) attributes {dimension_semantics = [#tpu.dimension_semantics<core_parallel>, #tpu.dimension_semantics<subcore_parallel>], iteration_bounds = array<i64: 2, 16>, scalar_prefetch = 0 : i64, scratch_operands = 6 : i64, tpu.core_type = #tpu.core_type<sc_vector_subcore>, window_params = [{transform_indices = #map}, {transform_indices = #map}, {transform_indices = #map}, {transform_indices = #map}]} {
    %mul3A = arith.constant 2 : i32
    %mul3A_0 = arith.muli %arg1, %mul3A : i32
    %add3A = arith.addi %mul3A_0, %arg0 : i32
    %mul3A_1 = arith.constant 1024 : i32
    %mul3A_2 = arith.muli %add3A, %mul3A_1 : i32
    %mul3A_3 = arith.constant 256 : i32
    %mul3A_4 = arith.muli %arg1, %mul3A_3 : i32
    %mul3A_5 = arith.constant 256 : i32
    %mul3A_6 = arith.muli %arg1, %mul3A_5 : i32
    "tpu.region"() ({
      %run_scoped3A_102 = tpu.sem_alloc : memref<!tpu.dma_semaphore, #tpu.memory_space<semaphore_mem>>
      %dma_start3A_103 = arith.constant 0 : i32
      %dma_start3A_104 = tpu.memref_slice %arg9[%mul3A_6, %dma_start3A_103] : memref<4096x128xf32, #tpu.memory_space<vmem_shared>> -> memref<256x128xf32, #tpu.memory_space<vmem_shared>>
      %dma_start3A_105 = arith.constant 0 : i32
      %dma_start3A_106 = tpu.memref_slice %arg4[%mul3A_4, %dma_start3A_105] : memref<4096x128xf32, #tpu.memory_space<hbm>> -> memref<256x128xf32, #tpu.memory_space<hbm>>
      tpu.enqueue_dma source(%dma_start3A_106 : memref<256x128xf32, #tpu.memory_space<hbm>>) target(%dma_start3A_104 : memref<256x128xf32, #tpu.memory_space<vmem_shared>>) target_semaphore(%run_scoped3A_102 : memref<!tpu.dma_semaphore, #tpu.memory_space<semaphore_mem>>)
      %dma_wait3A_107 = arith.constant 0 : i32
      %dma_wait3A_108 = tpu.memref_slice %arg9[%mul3A_6, %dma_wait3A_107] : memref<4096x128xf32, #tpu.memory_space<vmem_shared>> -> memref<256x128xf32, #tpu.memory_space<vmem_shared>>
      %dma_wait3A_109 = arith.constant 0 : i32
      %dma_wait3A_110 = tpu.memref_slice %arg4[%mul3A_4, %dma_wait3A_109] : memref<4096x128xf32, #tpu.memory_space<hbm>> -> memref<256x128xf32, #tpu.memory_space<hbm>>
      tpu.wait_dma2 semaphore(%run_scoped3A_102 : memref<!tpu.dma_semaphore, #tpu.memory_space<semaphore_mem>>) src(%dma_wait3A_110 : memref<256x128xf32, #tpu.memory_space<hbm>>) dst(%dma_wait3A_108 : memref<256x128xf32, #tpu.memory_space<vmem_shared>>)
      tpu.yield
    }) : () -> ()
    %barrier3A = arith.constant 0 : index
    tpu.barrier barrier_id(%barrier3A)
    %mul3A_7 = arith.constant 8 : i32
    %mul3A_8 = arith.muli %add3A, %mul3A_7 : i32
    "tpu.region"() ({
      %run_scoped3A_102 = tpu.sem_alloc : memref<!tpu.dma_semaphore, #tpu.memory_space<semaphore_mem>>
      %dma_start3A_103 = arith.constant 0 : i32
      %dma_start3A_104 = tpu.memref_slice %arg3[%mul3A_8, %dma_start3A_103] : memref<256x128xi32, #tpu.memory_space<hbm>> -> memref<8x128xi32, #tpu.memory_space<hbm>>
      %dma_start3A_105 = arith.constant 0 : i32
      %dma_start3A_106 = tpu.memref_slice %arg3[%mul3A_8, %dma_start3A_105] : memref<256x128xi32, #tpu.memory_space<hbm>> -> memref<8x128xi32, #tpu.memory_space<hbm>>
      tpu.enqueue_dma source(%dma_start3A_106 : memref<8x128xi32, #tpu.memory_space<hbm>>) target(%arg6 : memref<8x128xi32, #tpu.memory_space<vmem>>) target_semaphore(%run_scoped3A_102 : memref<!tpu.dma_semaphore, #tpu.memory_space<semaphore_mem>>)
      %dma_wait3A_107 = arith.constant 0 : i32
      %dma_wait3A_108 = tpu.memref_slice %arg3[%mul3A_8, %dma_wait3A_107] : memref<256x128xi32, #tpu.memory_space<hbm>> -> memref<8x128xi32, #tpu.memory_space<hbm>>
      %dma_wait3A_109 = arith.constant 0 : i32
      %dma_wait3A_110 = tpu.memref_slice %arg3[%mul3A_8, %dma_wait3A_109] : memref<256x128xi32, #tpu.memory_space<hbm>> -> memref<8x128xi32, #tpu.memory_space<hbm>>
      tpu.wait_dma2 semaphore(%run_scoped3A_102 : memref<!tpu.dma_semaphore, #tpu.memory_space<semaphore_mem>>) src(%dma_wait3A_110 : memref<8x128xi32, #tpu.memory_space<hbm>>) dst(%arg6 : memref<8x128xi32, #tpu.memory_space<vmem>>)
      tpu.yield
    }) : () -> ()
    %add3A_9 = arith.constant 0 : i32
    %add3A_10 = arith.addi %mul3A_2, %add3A_9 : i32
    %dma_start3A = arith.constant 0 : i32
    %dma_start3A_11 = tpu.memref_slice %arg2[%add3A_10, %dma_start3A] : memref<32768x128xf32, #tpu.memory_space<hbm>> -> memref<128x128xf32, #tpu.memory_space<hbm>>
    %dma_start3A_12 = arith.constant 0 : i32
    %dma_start3A_13 = tpu.memref_slice %arg2[%add3A_10, %dma_start3A_12] : memref<32768x128xf32, #tpu.memory_space<hbm>> -> memref<128x128xf32, #tpu.memory_space<hbm>>
    tpu.enqueue_dma source(%dma_start3A_13 : memref<128x128xf32, #tpu.memory_space<hbm>>) target(%arg7 : memref<128x128xf32, #tpu.memory_space<vmem>>) target_semaphore(%arg10 : memref<!tpu.dma_semaphore, #tpu.memory_space<semaphore_mem>>)
    %add3A_14 = arith.constant 128 : i32
    %add3A_15 = arith.addi %mul3A_2, %add3A_14 : i32
    %dma_start3A_16 = arith.constant 0 : i32
    %dma_start3A_17 = tpu.memref_slice %arg2[%add3A_15, %dma_start3A_16] : memref<32768x128xf32, #tpu.memory_space<hbm>> -> memref<128x128xf32, #tpu.memory_space<hbm>>
    %dma_start3A_18 = arith.constant 0 : i32
    %dma_start3A_19 = tpu.memref_slice %arg2[%add3A_15, %dma_start3A_18] : memref<32768x128xf32, #tpu.memory_space<hbm>> -> memref<128x128xf32, #tpu.memory_space<hbm>>
    tpu.enqueue_dma source(%dma_start3A_19 : memref<128x128xf32, #tpu.memory_space<hbm>>) target(%arg8 : memref<128x128xf32, #tpu.memory_space<vmem>>) target_semaphore(%arg11 : memref<!tpu.dma_semaphore, #tpu.memory_space<semaphore_mem>>)
    %dma_wait3A = arith.constant 0 : i32
    %dma_wait3A_20 = tpu.memref_slice %arg2[%add3A_10, %dma_wait3A] : memref<32768x128xf32, #tpu.memory_space<hbm>> -> memref<128x128xf32, #tpu.memory_space<hbm>>
    %dma_wait3A_21 = arith.constant 0 : i32
    %dma_wait3A_22 = tpu.memref_slice %arg2[%add3A_10, %dma_wait3A_21] : memref<32768x128xf32, #tpu.memory_space<hbm>> -> memref<128x128xf32, #tpu.memory_space<hbm>>
    tpu.wait_dma2 semaphore(%arg10 : memref<!tpu.dma_semaphore, #tpu.memory_space<semaphore_mem>>) src(%dma_wait3A_22 : memref<128x128xf32, #tpu.memory_space<hbm>>) dst(%arg7 : memref<128x128xf32, #tpu.memory_space<vmem>>)
    %run_scoped3A = arith.constant 0 : i32
    "tpu.region"() ({
      %run_scoped3A_102 = tpu.sem_alloc : memref<!tpu.dma_semaphore, #tpu.memory_space<semaphore_mem>>
      %dma_start3A_103 = arith.constant 0 : i32
      %dma_start3A_104 = tpu.memref_slice %arg6[%run_scoped3A, %dma_start3A_103] : memref<8x128xi32, #tpu.memory_space<vmem>> -> memref<1x128xi32, #tpu.memory_space<vmem>>
      %dma_start3A_105 = tpu.memref_squeeze %dma_start3A_104 : memref<1x128xi32, #tpu.memory_space<vmem>> -> memref<128xi32, #tpu.memory_space<vmem>>
      %dma_start3A_106 = arith.constant 0 : i32
      %dma_start3A_107 = arith.constant 0 : i32
      %dma_start3A_108 = tpu.memref_slice %arg9[%dma_start3A_106, %dma_start3A_107] : memref<4096x128xf32, #tpu.memory_space<vmem_shared>> -> memref<4096x128xf32, #tpu.memory_space<vmem_shared>>
      tpu.enqueue_indirect_dma source(%arg7 : memref<128x128xf32, #tpu.memory_space<vmem>>) target(%dma_start3A_108 : memref<4096x128xf32, #tpu.memory_space<vmem_shared>>) offsets(%dma_start3A_105 : memref<128xi32, #tpu.memory_space<vmem>>) semaphore(%run_scoped3A_102 : memref<!tpu.dma_semaphore, #tpu.memory_space<semaphore_mem>>) {add = true}
      %dma_wait3A_109 = arith.constant 0 : i32
      %dma_wait3A_110 = tpu.memref_slice %arg6[%run_scoped3A, %dma_wait3A_109] : memref<8x128xi32, #tpu.memory_space<vmem>> -> memref<1x128xi32, #tpu.memory_space<vmem>>
      %dma_wait3A_111 = tpu.memref_squeeze %dma_wait3A_110 : memref<1x128xi32, #tpu.memory_space<vmem>> -> memref<128xi32, #tpu.memory_space<vmem>>
      %dma_wait3A_112 = arith.constant 0 : i32
      %dma_wait3A_113 = arith.constant 0 : i32
      %dma_wait3A_114 = tpu.memref_slice %arg9[%dma_wait3A_112, %dma_wait3A_113] : memref<4096x128xf32, #tpu.memory_space<vmem_shared>> -> memref<4096x128xf32, #tpu.memory_space<vmem_shared>>
      tpu.wait_indirect_dma semaphore(%run_scoped3A_102 : memref<!tpu.dma_semaphore, #tpu.memory_space<semaphore_mem>>) src(%arg7 : memref<128x128xf32, #tpu.memory_space<vmem>>) dst(%dma_wait3A_114 : memref<4096x128xf32, #tpu.memory_space<vmem_shared>>)
      tpu.yield
    }) : () -> ()
    %add3A_23 = arith.constant 256 : i32
    %add3A_24 = arith.addi %mul3A_2, %add3A_23 : i32
    %dma_start3A_25 = arith.constant 0 : i32
    %dma_start3A_26 = tpu.memref_slice %arg2[%add3A_24, %dma_start3A_25] : memref<32768x128xf32, #tpu.memory_space<hbm>> -> memref<128x128xf32, #tpu.memory_space<hbm>>
    %dma_start3A_27 = arith.constant 0 : i32
    %dma_start3A_28 = tpu.memref_slice %arg2[%add3A_24, %dma_start3A_27] : memref<32768x128xf32, #tpu.memory_space<hbm>> -> memref<128x128xf32, #tpu.memory_space<hbm>>
    tpu.enqueue_dma source(%dma_start3A_28 : memref<128x128xf32, #tpu.memory_space<hbm>>) target(%arg7 : memref<128x128xf32, #tpu.memory_space<vmem>>) target_semaphore(%arg10 : memref<!tpu.dma_semaphore, #tpu.memory_space<semaphore_mem>>)
    %dma_wait3A_29 = arith.constant 0 : i32
    %dma_wait3A_30 = tpu.memref_slice %arg2[%add3A_15, %dma_wait3A_29] : memref<32768x128xf32, #tpu.memory_space<hbm>> -> memref<128x128xf32, #tpu.memory_space<hbm>>
    %dma_wait3A_31 = arith.constant 0 : i32
    %dma_wait3A_32 = tpu.memref_slice %arg2[%add3A_15, %dma_wait3A_31] : memref<32768x128xf32, #tpu.memory_space<hbm>> -> memref<128x128xf32, #tpu.memory_space<hbm>>
    tpu.wait_dma2 semaphore(%arg11 : memref<!tpu.dma_semaphore, #tpu.memory_space<semaphore_mem>>) src(%dma_wait3A_32 : memref<128x128xf32, #tpu.memory_space<hbm>>) dst(%arg8 : memref<128x128xf32, #tpu.memory_space<vmem>>)
    %run_scoped3A_33 = arith.constant 1 : i32
    "tpu.region"() ({
      %run_scoped3A_102 = tpu.sem_alloc : memref<!tpu.dma_semaphore, #tpu.memory_space<semaphore_mem>>
      %dma_start3A_103 = arith.constant 0 : i32
      %dma_start3A_104 = tpu.memref_slice %arg6[%run_scoped3A_33, %dma_start3A_103] : memref<8x128xi32, #tpu.memory_space<vmem>> -> memref<1x128xi32, #tpu.memory_space<vmem>>
      %dma_start3A_105 = tpu.memref_squeeze %dma_start3A_104 : memref<1x128xi32, #tpu.memory_space<vmem>> -> memref<128xi32, #tpu.memory_space<vmem>>
      %dma_start3A_106 = arith.constant 0 : i32
      %dma_start3A_107 = arith.constant 0 : i32
      %dma_start3A_108 = tpu.memref_slice %arg9[%dma_start3A_106, %dma_start3A_107] : memref<4096x128xf32, #tpu.memory_space<vmem_shared>> -> memref<4096x128xf32, #tpu.memory_space<vmem_shared>>
      tpu.enqueue_indirect_dma source(%arg8 : memref<128x128xf32, #tpu.memory_space<vmem>>) target(%dma_start3A_108 : memref<4096x128xf32, #tpu.memory_space<vmem_shared>>) offsets(%dma_start3A_105 : memref<128xi32, #tpu.memory_space<vmem>>) semaphore(%run_scoped3A_102 : memref<!tpu.dma_semaphore, #tpu.memory_space<semaphore_mem>>) {add = true}
      %dma_wait3A_109 = arith.constant 0 : i32
      %dma_wait3A_110 = tpu.memref_slice %arg6[%run_scoped3A_33, %dma_wait3A_109] : memref<8x128xi32, #tpu.memory_space<vmem>> -> memref<1x128xi32, #tpu.memory_space<vmem>>
      %dma_wait3A_111 = tpu.memref_squeeze %dma_wait3A_110 : memref<1x128xi32, #tpu.memory_space<vmem>> -> memref<128xi32, #tpu.memory_space<vmem>>
      %dma_wait3A_112 = arith.constant 0 : i32
      %dma_wait3A_113 = arith.constant 0 : i32
      %dma_wait3A_114 = tpu.memref_slice %arg9[%dma_wait3A_112, %dma_wait3A_113] : memref<4096x128xf32, #tpu.memory_space<vmem_shared>> -> memref<4096x128xf32, #tpu.memory_space<vmem_shared>>
      tpu.wait_indirect_dma semaphore(%run_scoped3A_102 : memref<!tpu.dma_semaphore, #tpu.memory_space<semaphore_mem>>) src(%arg8 : memref<128x128xf32, #tpu.memory_space<vmem>>) dst(%dma_wait3A_114 : memref<4096x128xf32, #tpu.memory_space<vmem_shared>>)
      tpu.yield
    }) : () -> ()
    %add3A_34 = arith.constant 384 : i32
    %add3A_35 = arith.addi %mul3A_2, %add3A_34 : i32
    %dma_start3A_36 = arith.constant 0 : i32
    %dma_start3A_37 = tpu.memref_slice %arg2[%add3A_35, %dma_start3A_36] : memref<32768x128xf32, #tpu.memory_space<hbm>> -> memref<128x128xf32, #tpu.memory_space<hbm>>
    %dma_start3A_38 = arith.constant 0 : i32
    %dma_start3A_39 = tpu.memref_slice %arg2[%add3A_35, %dma_start3A_38] : memref<32768x128xf32, #tpu.memory_space<hbm>> -> memref<128x128xf32, #tpu.memory_space<hbm>>
    tpu.enqueue_dma source(%dma_start3A_39 : memref<128x128xf32, #tpu.memory_space<hbm>>) target(%arg8 : memref<128x128xf32, #tpu.memory_space<vmem>>) target_semaphore(%arg11 : memref<!tpu.dma_semaphore, #tpu.memory_space<semaphore_mem>>)
    %dma_wait3A_40 = arith.constant 0 : i32
    %dma_wait3A_41 = tpu.memref_slice %arg2[%add3A_24, %dma_wait3A_40] : memref<32768x128xf32, #tpu.memory_space<hbm>> -> memref<128x128xf32, #tpu.memory_space<hbm>>
    %dma_wait3A_42 = arith.constant 0 : i32
    %dma_wait3A_43 = tpu.memref_slice %arg2[%add3A_24, %dma_wait3A_42] : memref<32768x128xf32, #tpu.memory_space<hbm>> -> memref<128x128xf32, #tpu.memory_space<hbm>>
    tpu.wait_dma2 semaphore(%arg10 : memref<!tpu.dma_semaphore, #tpu.memory_space<semaphore_mem>>) src(%dma_wait3A_43 : memref<128x128xf32, #tpu.memory_space<hbm>>) dst(%arg7 : memref<128x128xf32, #tpu.memory_space<vmem>>)
    %run_scoped3A_44 = arith.constant 2 : i32
    "tpu.region"() ({
      %run_scoped3A_102 = tpu.sem_alloc : memref<!tpu.dma_semaphore, #tpu.memory_space<semaphore_mem>>
      %dma_start3A_103 = arith.constant 0 : i32
      %dma_start3A_104 = tpu.memref_slice %arg6[%run_scoped3A_44, %dma_start3A_103] : memref<8x128xi32, #tpu.memory_space<vmem>> -> memref<1x128xi32, #tpu.memory_space<vmem>>
      %dma_start3A_105 = tpu.memref_squeeze %dma_start3A_104 : memref<1x128xi32, #tpu.memory_space<vmem>> -> memref<128xi32, #tpu.memory_space<vmem>>
      %dma_start3A_106 = arith.constant 0 : i32
      %dma_start3A_107 = arith.constant 0 : i32
      %dma_start3A_108 = tpu.memref_slice %arg9[%dma_start3A_106, %dma_start3A_107] : memref<4096x128xf32, #tpu.memory_space<vmem_shared>> -> memref<4096x128xf32, #tpu.memory_space<vmem_shared>>
      tpu.enqueue_indirect_dma source(%arg7 : memref<128x128xf32, #tpu.memory_space<vmem>>) target(%dma_start3A_108 : memref<4096x128xf32, #tpu.memory_space<vmem_shared>>) offsets(%dma_start3A_105 : memref<128xi32, #tpu.memory_space<vmem>>) semaphore(%run_scoped3A_102 : memref<!tpu.dma_semaphore, #tpu.memory_space<semaphore_mem>>) {add = true}
      %dma_wait3A_109 = arith.constant 0 : i32
      %dma_wait3A_110 = tpu.memref_slice %arg6[%run_scoped3A_44, %dma_wait3A_109] : memref<8x128xi32, #tpu.memory_space<vmem>> -> memref<1x128xi32, #tpu.memory_space<vmem>>
      %dma_wait3A_111 = tpu.memref_squeeze %dma_wait3A_110 : memref<1x128xi32, #tpu.memory_space<vmem>> -> memref<128xi32, #tpu.memory_space<vmem>>
      %dma_wait3A_112 = arith.constant 0 : i32
      %dma_wait3A_113 = arith.constant 0 : i32
      %dma_wait3A_114 = tpu.memref_slice %arg9[%dma_wait3A_112, %dma_wait3A_113] : memref<4096x128xf32, #tpu.memory_space<vmem_shared>> -> memref<4096x128xf32, #tpu.memory_space<vmem_shared>>
      tpu.wait_indirect_dma semaphore(%run_scoped3A_102 : memref<!tpu.dma_semaphore, #tpu.memory_space<semaphore_mem>>) src(%arg7 : memref<128x128xf32, #tpu.memory_space<vmem>>) dst(%dma_wait3A_114 : memref<4096x128xf32, #tpu.memory_space<vmem_shared>>)
      tpu.yield
    }) : () -> ()
    %add3A_45 = arith.constant 512 : i32
    %add3A_46 = arith.addi %mul3A_2, %add3A_45 : i32
    %dma_start3A_47 = arith.constant 0 : i32
    %dma_start3A_48 = tpu.memref_slice %arg2[%add3A_46, %dma_start3A_47] : memref<32768x128xf32, #tpu.memory_space<hbm>> -> memref<128x128xf32, #tpu.memory_space<hbm>>
    %dma_start3A_49 = arith.constant 0 : i32
    %dma_start3A_50 = tpu.memref_slice %arg2[%add3A_46, %dma_start3A_49] : memref<32768x128xf32, #tpu.memory_space<hbm>> -> memref<128x128xf32, #tpu.memory_space<hbm>>
    tpu.enqueue_dma source(%dma_start3A_50 : memref<128x128xf32, #tpu.memory_space<hbm>>) target(%arg7 : memref<128x128xf32, #tpu.memory_space<vmem>>) target_semaphore(%arg10 : memref<!tpu.dma_semaphore, #tpu.memory_space<semaphore_mem>>)
    %dma_wait3A_51 = arith.constant 0 : i32
    %dma_wait3A_52 = tpu.memref_slice %arg2[%add3A_35, %dma_wait3A_51] : memref<32768x128xf32, #tpu.memory_space<hbm>> -> memref<128x128xf32, #tpu.memory_space<hbm>>
    %dma_wait3A_53 = arith.constant 0 : i32
    %dma_wait3A_54 = tpu.memref_slice %arg2[%add3A_35, %dma_wait3A_53] : memref<32768x128xf32, #tpu.memory_space<hbm>> -> memref<128x128xf32, #tpu.memory_space<hbm>>
    tpu.wait_dma2 semaphore(%arg11 : memref<!tpu.dma_semaphore, #tpu.memory_space<semaphore_mem>>) src(%dma_wait3A_54 : memref<128x128xf32, #tpu.memory_space<hbm>>) dst(%arg8 : memref<128x128xf32, #tpu.memory_space<vmem>>)
    %run_scoped3A_55 = arith.constant 3 : i32
    "tpu.region"() ({
      %run_scoped3A_102 = tpu.sem_alloc : memref<!tpu.dma_semaphore, #tpu.memory_space<semaphore_mem>>
      %dma_start3A_103 = arith.constant 0 : i32
      %dma_start3A_104 = tpu.memref_slice %arg6[%run_scoped3A_55, %dma_start3A_103] : memref<8x128xi32, #tpu.memory_space<vmem>> -> memref<1x128xi32, #tpu.memory_space<vmem>>
      %dma_start3A_105 = tpu.memref_squeeze %dma_start3A_104 : memref<1x128xi32, #tpu.memory_space<vmem>> -> memref<128xi32, #tpu.memory_space<vmem>>
      %dma_start3A_106 = arith.constant 0 : i32
      %dma_start3A_107 = arith.constant 0 : i32
      %dma_start3A_108 = tpu.memref_slice %arg9[%dma_start3A_106, %dma_start3A_107] : memref<4096x128xf32, #tpu.memory_space<vmem_shared>> -> memref<4096x128xf32, #tpu.memory_space<vmem_shared>>
      tpu.enqueue_indirect_dma source(%arg8 : memref<128x128xf32, #tpu.memory_space<vmem>>) target(%dma_start3A_108 : memref<4096x128xf32, #tpu.memory_space<vmem_shared>>) offsets(%dma_start3A_105 : memref<128xi32, #tpu.memory_space<vmem>>) semaphore(%run_scoped3A_102 : memref<!tpu.dma_semaphore, #tpu.memory_space<semaphore_mem>>) {add = true}
      %dma_wait3A_109 = arith.constant 0 : i32
      %dma_wait3A_110 = tpu.memref_slice %arg6[%run_scoped3A_55, %dma_wait3A_109] : memref<8x128xi32, #tpu.memory_space<vmem>> -> memref<1x128xi32, #tpu.memory_space<vmem>>
      %dma_wait3A_111 = tpu.memref_squeeze %dma_wait3A_110 : memref<1x128xi32, #tpu.memory_space<vmem>> -> memref<128xi32, #tpu.memory_space<vmem>>
      %dma_wait3A_112 = arith.constant 0 : i32
      %dma_wait3A_113 = arith.constant 0 : i32
      %dma_wait3A_114 = tpu.memref_slice %arg9[%dma_wait3A_112, %dma_wait3A_113] : memref<4096x128xf32, #tpu.memory_space<vmem_shared>> -> memref<4096x128xf32, #tpu.memory_space<vmem_shared>>
      tpu.wait_indirect_dma semaphore(%run_scoped3A_102 : memref<!tpu.dma_semaphore, #tpu.memory_space<semaphore_mem>>) src(%arg8 : memref<128x128xf32, #tpu.memory_space<vmem>>) dst(%dma_wait3A_114 : memref<4096x128xf32, #tpu.memory_space<vmem_shared>>)
      tpu.yield
    }) : () -> ()
    %add3A_56 = arith.constant 640 : i32
    %add3A_57 = arith.addi %mul3A_2, %add3A_56 : i32
    %dma_start3A_58 = arith.constant 0 : i32
    %dma_start3A_59 = tpu.memref_slice %arg2[%add3A_57, %dma_start3A_58] : memref<32768x128xf32, #tpu.memory_space<hbm>> -> memref<128x128xf32, #tpu.memory_space<hbm>>
    %dma_start3A_60 = arith.constant 0 : i32
    %dma_start3A_61 = tpu.memref_slice %arg2[%add3A_57, %dma_start3A_60] : memref<32768x128xf32, #tpu.memory_space<hbm>> -> memref<128x128xf32, #tpu.memory_space<hbm>>
    tpu.enqueue_dma source(%dma_start3A_61 : memref<128x128xf32, #tpu.memory_space<hbm>>) target(%arg8 : memref<128x128xf32, #tpu.memory_space<vmem>>) target_semaphore(%arg11 : memref<!tpu.dma_semaphore, #tpu.memory_space<semaphore_mem>>)
    %dma_wait3A_62 = arith.constant 0 : i32
    %dma_wait3A_63 = tpu.memref_slice %arg2[%add3A_46, %dma_wait3A_62] : memref<32768x128xf32, #tpu.memory_space<hbm>> -> memref<128x128xf32, #tpu.memory_space<hbm>>
    %dma_wait3A_64 = arith.constant 0 : i32
    %dma_wait3A_65 = tpu.memref_slice %arg2[%add3A_46, %dma_wait3A_64] : memref<32768x128xf32, #tpu.memory_space<hbm>> -> memref<128x128xf32, #tpu.memory_space<hbm>>
    tpu.wait_dma2 semaphore(%arg10 : memref<!tpu.dma_semaphore, #tpu.memory_space<semaphore_mem>>) src(%dma_wait3A_65 : memref<128x128xf32, #tpu.memory_space<hbm>>) dst(%arg7 : memref<128x128xf32, #tpu.memory_space<vmem>>)
    %run_scoped3A_66 = arith.constant 4 : i32
    "tpu.region"() ({
      %run_scoped3A_102 = tpu.sem_alloc : memref<!tpu.dma_semaphore, #tpu.memory_space<semaphore_mem>>
      %dma_start3A_103 = arith.constant 0 : i32
      %dma_start3A_104 = tpu.memref_slice %arg6[%run_scoped3A_66, %dma_start3A_103] : memref<8x128xi32, #tpu.memory_space<vmem>> -> memref<1x128xi32, #tpu.memory_space<vmem>>
      %dma_start3A_105 = tpu.memref_squeeze %dma_start3A_104 : memref<1x128xi32, #tpu.memory_space<vmem>> -> memref<128xi32, #tpu.memory_space<vmem>>
      %dma_start3A_106 = arith.constant 0 : i32
      %dma_start3A_107 = arith.constant 0 : i32
      %dma_start3A_108 = tpu.memref_slice %arg9[%dma_start3A_106, %dma_start3A_107] : memref<4096x128xf32, #tpu.memory_space<vmem_shared>> -> memref<4096x128xf32, #tpu.memory_space<vmem_shared>>
      tpu.enqueue_indirect_dma source(%arg7 : memref<128x128xf32, #tpu.memory_space<vmem>>) target(%dma_start3A_108 : memref<4096x128xf32, #tpu.memory_space<vmem_shared>>) offsets(%dma_start3A_105 : memref<128xi32, #tpu.memory_space<vmem>>) semaphore(%run_scoped3A_102 : memref<!tpu.dma_semaphore, #tpu.memory_space<semaphore_mem>>) {add = true}
      %dma_wait3A_109 = arith.constant 0 : i32
      %dma_wait3A_110 = tpu.memref_slice %arg6[%run_scoped3A_66, %dma_wait3A_109] : memref<8x128xi32, #tpu.memory_space<vmem>> -> memref<1x128xi32, #tpu.memory_space<vmem>>
      %dma_wait3A_111 = tpu.memref_squeeze %dma_wait3A_110 : memref<1x128xi32, #tpu.memory_space<vmem>> -> memref<128xi32, #tpu.memory_space<vmem>>
      %dma_wait3A_112 = arith.constant 0 : i32
      %dma_wait3A_113 = arith.constant 0 : i32
      %dma_wait3A_114 = tpu.memref_slice %arg9[%dma_wait3A_112, %dma_wait3A_113] : memref<4096x128xf32, #tpu.memory_space<vmem_shared>> -> memref<4096x128xf32, #tpu.memory_space<vmem_shared>>
      tpu.wait_indirect_dma semaphore(%run_scoped3A_102 : memref<!tpu.dma_semaphore, #tpu.memory_space<semaphore_mem>>) src(%arg7 : memref<128x128xf32, #tpu.memory_space<vmem>>) dst(%dma_wait3A_114 : memref<4096x128xf32, #tpu.memory_space<vmem_shared>>)
      tpu.yield
    }) : () -> ()
    %add3A_67 = arith.constant 768 : i32
    %add3A_68 = arith.addi %mul3A_2, %add3A_67 : i32
    %dma_start3A_69 = arith.constant 0 : i32
    %dma_start3A_70 = tpu.memref_slice %arg2[%add3A_68, %dma_start3A_69] : memref<32768x128xf32, #tpu.memory_space<hbm>> -> memref<128x128xf32, #tpu.memory_space<hbm>>
    %dma_start3A_71 = arith.constant 0 : i32
    %dma_start3A_72 = tpu.memref_slice %arg2[%add3A_68, %dma_start3A_71] : memref<32768x128xf32, #tpu.memory_space<hbm>> -> memref<128x128xf32, #tpu.memory_space<hbm>>
    tpu.enqueue_dma source(%dma_start3A_72 : memref<128x128xf32, #tpu.memory_space<hbm>>) target(%arg7 : memref<128x128xf32, #tpu.memory_space<vmem>>) target_semaphore(%arg10 : memref<!tpu.dma_semaphore, #tpu.memory_space<semaphore_mem>>)
    %dma_wait3A_73 = arith.constant 0 : i32
    %dma_wait3A_74 = tpu.memref_slice %arg2[%add3A_57, %dma_wait3A_73] : memref<32768x128xf32, #tpu.memory_space<hbm>> -> memref<128x128xf32, #tpu.memory_space<hbm>>
    %dma_wait3A_75 = arith.constant 0 : i32
    %dma_wait3A_76 = tpu.memref_slice %arg2[%add3A_57, %dma_wait3A_75] : memref<32768x128xf32, #tpu.memory_space<hbm>> -> memref<128x128xf32, #tpu.memory_space<hbm>>
    tpu.wait_dma2 semaphore(%arg11 : memref<!tpu.dma_semaphore, #tpu.memory_space<semaphore_mem>>) src(%dma_wait3A_76 : memref<128x128xf32, #tpu.memory_space<hbm>>) dst(%arg8 : memref<128x128xf32, #tpu.memory_space<vmem>>)
    %run_scoped3A_77 = arith.constant 5 : i32
    "tpu.region"() ({
      %run_scoped3A_102 = tpu.sem_alloc : memref<!tpu.dma_semaphore, #tpu.memory_space<semaphore_mem>>
      %dma_start3A_103 = arith.constant 0 : i32
      %dma_start3A_104 = tpu.memref_slice %arg6[%run_scoped3A_77, %dma_start3A_103] : memref<8x128xi32, #tpu.memory_space<vmem>> -> memref<1x128xi32, #tpu.memory_space<vmem>>
      %dma_start3A_105 = tpu.memref_squeeze %dma_start3A_104 : memref<1x128xi32, #tpu.memory_space<vmem>> -> memref<128xi32, #tpu.memory_space<vmem>>
      %dma_start3A_106 = arith.constant 0 : i32
      %dma_start3A_107 = arith.constant 0 : i32
      %dma_start3A_108 = tpu.memref_slice %arg9[%dma_start3A_106, %dma_start3A_107] : memref<4096x128xf32, #tpu.memory_space<vmem_shared>> -> memref<4096x128xf32, #tpu.memory_space<vmem_shared>>
      tpu.enqueue_indirect_dma source(%arg8 : memref<128x128xf32, #tpu.memory_space<vmem>>) target(%dma_start3A_108 : memref<4096x128xf32, #tpu.memory_space<vmem_shared>>) offsets(%dma_start3A_105 : memref<128xi32, #tpu.memory_space<vmem>>) semaphore(%run_scoped3A_102 : memref<!tpu.dma_semaphore, #tpu.memory_space<semaphore_mem>>) {add = true}
      %dma_wait3A_109 = arith.constant 0 : i32
      %dma_wait3A_110 = tpu.memref_slice %arg6[%run_scoped3A_77, %dma_wait3A_109] : memref<8x128xi32, #tpu.memory_space<vmem>> -> memref<1x128xi32, #tpu.memory_space<vmem>>
      %dma_wait3A_111 = tpu.memref_squeeze %dma_wait3A_110 : memref<1x128xi32, #tpu.memory_space<vmem>> -> memref<128xi32, #tpu.memory_space<vmem>>
      %dma_wait3A_112 = arith.constant 0 : i32
      %dma_wait3A_113 = arith.constant 0 : i32
      %dma_wait3A_114 = tpu.memref_slice %arg9[%dma_wait3A_112, %dma_wait3A_113] : memref<4096x128xf32, #tpu.memory_space<vmem_shared>> -> memref<4096x128xf32, #tpu.memory_space<vmem_shared>>
      tpu.wait_indirect_dma semaphore(%run_scoped3A_102 : memref<!tpu.dma_semaphore, #tpu.memory_space<semaphore_mem>>) src(%arg8 : memref<128x128xf32, #tpu.memory_space<vmem>>) dst(%dma_wait3A_114 : memref<4096x128xf32, #tpu.memory_space<vmem_shared>>)
      tpu.yield
    }) : () -> ()
    %add3A_78 = arith.constant 896 : i32
    %add3A_79 = arith.addi %mul3A_2, %add3A_78 : i32
    %dma_start3A_80 = arith.constant 0 : i32
    %dma_start3A_81 = tpu.memref_slice %arg2[%add3A_79, %dma_start3A_80] : memref<32768x128xf32, #tpu.memory_space<hbm>> -> memref<128x128xf32, #tpu.memory_space<hbm>>
    %dma_start3A_82 = arith.constant 0 : i32
    %dma_start3A_83 = tpu.memref_slice %arg2[%add3A_79, %dma_start3A_82] : memref<32768x128xf32, #tpu.memory_space<hbm>> -> memref<128x128xf32, #tpu.memory_space<hbm>>
    tpu.enqueue_dma source(%dma_start3A_83 : memref<128x128xf32, #tpu.memory_space<hbm>>) target(%arg8 : memref<128x128xf32, #tpu.memory_space<vmem>>) target_semaphore(%arg11 : memref<!tpu.dma_semaphore, #tpu.memory_space<semaphore_mem>>)
    %dma_wait3A_84 = arith.constant 0 : i32
    %dma_wait3A_85 = tpu.memref_slice %arg2[%add3A_68, %dma_wait3A_84] : memref<32768x128xf32, #tpu.memory_space<hbm>> -> memref<128x128xf32, #tpu.memory_space<hbm>>
    %dma_wait3A_86 = arith.constant 0 : i32
    %dma_wait3A_87 = tpu.memref_slice %arg2[%add3A_68, %dma_wait3A_86] : memref<32768x128xf32, #tpu.memory_space<hbm>> -> memref<128x128xf32, #tpu.memory_space<hbm>>
    tpu.wait_dma2 semaphore(%arg10 : memref<!tpu.dma_semaphore, #tpu.memory_space<semaphore_mem>>) src(%dma_wait3A_87 : memref<128x128xf32, #tpu.memory_space<hbm>>) dst(%arg7 : memref<128x128xf32, #tpu.memory_space<vmem>>)
    %run_scoped3A_88 = arith.constant 6 : i32
    "tpu.region"() ({
      %run_scoped3A_102 = tpu.sem_alloc : memref<!tpu.dma_semaphore, #tpu.memory_space<semaphore_mem>>
      %dma_start3A_103 = arith.constant 0 : i32
      %dma_start3A_104 = tpu.memref_slice %arg6[%run_scoped3A_88, %dma_start3A_103] : memref<8x128xi32, #tpu.memory_space<vmem>> -> memref<1x128xi32, #tpu.memory_space<vmem>>
      %dma_start3A_105 = tpu.memref_squeeze %dma_start3A_104 : memref<1x128xi32, #tpu.memory_space<vmem>> -> memref<128xi32, #tpu.memory_space<vmem>>
      %dma_start3A_106 = arith.constant 0 : i32
      %dma_start3A_107 = arith.constant 0 : i32
      %dma_start3A_108 = tpu.memref_slice %arg9[%dma_start3A_106, %dma_start3A_107] : memref<4096x128xf32, #tpu.memory_space<vmem_shared>> -> memref<4096x128xf32, #tpu.memory_space<vmem_shared>>
      tpu.enqueue_indirect_dma source(%arg7 : memref<128x128xf32, #tpu.memory_space<vmem>>) target(%dma_start3A_108 : memref<4096x128xf32, #tpu.memory_space<vmem_shared>>) offsets(%dma_start3A_105 : memref<128xi32, #tpu.memory_space<vmem>>) semaphore(%run_scoped3A_102 : memref<!tpu.dma_semaphore, #tpu.memory_space<semaphore_mem>>) {add = true}
      %dma_wait3A_109 = arith.constant 0 : i32
      %dma_wait3A_110 = tpu.memref_slice %arg6[%run_scoped3A_88, %dma_wait3A_109] : memref<8x128xi32, #tpu.memory_space<vmem>> -> memref<1x128xi32, #tpu.memory_space<vmem>>
      %dma_wait3A_111 = tpu.memref_squeeze %dma_wait3A_110 : memref<1x128xi32, #tpu.memory_space<vmem>> -> memref<128xi32, #tpu.memory_space<vmem>>
      %dma_wait3A_112 = arith.constant 0 : i32
      %dma_wait3A_113 = arith.constant 0 : i32
      %dma_wait3A_114 = tpu.memref_slice %arg9[%dma_wait3A_112, %dma_wait3A_113] : memref<4096x128xf32, #tpu.memory_space<vmem_shared>> -> memref<4096x128xf32, #tpu.memory_space<vmem_shared>>
      tpu.wait_indirect_dma semaphore(%run_scoped3A_102 : memref<!tpu.dma_semaphore, #tpu.memory_space<semaphore_mem>>) src(%arg7 : memref<128x128xf32, #tpu.memory_space<vmem>>) dst(%dma_wait3A_114 : memref<4096x128xf32, #tpu.memory_space<vmem_shared>>)
      tpu.yield
    }) : () -> ()
    %dma_wait3A_89 = arith.constant 0 : i32
    %dma_wait3A_90 = tpu.memref_slice %arg2[%add3A_79, %dma_wait3A_89] : memref<32768x128xf32, #tpu.memory_space<hbm>> -> memref<128x128xf32, #tpu.memory_space<hbm>>
    %dma_wait3A_91 = arith.constant 0 : i32
    %dma_wait3A_92 = tpu.memref_slice %arg2[%add3A_79, %dma_wait3A_91] : memref<32768x128xf32, #tpu.memory_space<hbm>> -> memref<128x128xf32, #tpu.memory_space<hbm>>
    tpu.wait_dma2 semaphore(%arg11 : memref<!tpu.dma_semaphore, #tpu.memory_space<semaphore_mem>>) src(%dma_wait3A_92 : memref<128x128xf32, #tpu.memory_space<hbm>>) dst(%arg8 : memref<128x128xf32, #tpu.memory_space<vmem>>)
    %run_scoped3A_93 = arith.constant 7 : i32
    "tpu.region"() ({
      %run_scoped3A_102 = tpu.sem_alloc : memref<!tpu.dma_semaphore, #tpu.memory_space<semaphore_mem>>
      %dma_start3A_103 = arith.constant 0 : i32
      %dma_start3A_104 = tpu.memref_slice %arg6[%run_scoped3A_93, %dma_start3A_103] : memref<8x128xi32, #tpu.memory_space<vmem>> -> memref<1x128xi32, #tpu.memory_space<vmem>>
      %dma_start3A_105 = tpu.memref_squeeze %dma_start3A_104 : memref<1x128xi32, #tpu.memory_space<vmem>> -> memref<128xi32, #tpu.memory_space<vmem>>
      %dma_start3A_106 = arith.constant 0 : i32
      %dma_start3A_107 = arith.constant 0 : i32
      %dma_start3A_108 = tpu.memref_slice %arg9[%dma_start3A_106, %dma_start3A_107] : memref<4096x128xf32, #tpu.memory_space<vmem_shared>> -> memref<4096x128xf32, #tpu.memory_space<vmem_shared>>
      tpu.enqueue_indirect_dma source(%arg8 : memref<128x128xf32, #tpu.memory_space<vmem>>) target(%dma_start3A_108 : memref<4096x128xf32, #tpu.memory_space<vmem_shared>>) offsets(%dma_start3A_105 : memref<128xi32, #tpu.memory_space<vmem>>) semaphore(%run_scoped3A_102 : memref<!tpu.dma_semaphore, #tpu.memory_space<semaphore_mem>>) {add = true}
      %dma_wait3A_109 = arith.constant 0 : i32
      %dma_wait3A_110 = tpu.memref_slice %arg6[%run_scoped3A_93, %dma_wait3A_109] : memref<8x128xi32, #tpu.memory_space<vmem>> -> memref<1x128xi32, #tpu.memory_space<vmem>>
      %dma_wait3A_111 = tpu.memref_squeeze %dma_wait3A_110 : memref<1x128xi32, #tpu.memory_space<vmem>> -> memref<128xi32, #tpu.memory_space<vmem>>
      %dma_wait3A_112 = arith.constant 0 : i32
      %dma_wait3A_113 = arith.constant 0 : i32
      %dma_wait3A_114 = tpu.memref_slice %arg9[%dma_wait3A_112, %dma_wait3A_113] : memref<4096x128xf32, #tpu.memory_space<vmem_shared>> -> memref<4096x128xf32, #tpu.memory_space<vmem_shared>>
      tpu.wait_indirect_dma semaphore(%run_scoped3A_102 : memref<!tpu.dma_semaphore, #tpu.memory_space<semaphore_mem>>) src(%arg8 : memref<128x128xf32, #tpu.memory_space<vmem>>) dst(%dma_wait3A_114 : memref<4096x128xf32, #tpu.memory_space<vmem_shared>>)
      tpu.yield
    }) : () -> ()
    %barrier3A_94 = arith.constant 0 : index
    tpu.barrier barrier_id(%barrier3A_94)
    %mul3A_95 = arith.constant 256 : i32
    %mul3A_96 = arith.muli %arg1, %mul3A_95 : i32
    %mul3A_97 = arith.constant 4096 : i32
    %mul3A_98 = arith.muli %arg0, %mul3A_97 : i32
    %mul3A_99 = arith.constant 256 : i32
    %mul3A_100 = arith.muli %arg1, %mul3A_99 : i32
    %add3A_101 = arith.addi %mul3A_98, %mul3A_100 : i32
    "tpu.region"() ({
      %run_scoped3A_102 = tpu.sem_alloc : memref<!tpu.dma_semaphore, #tpu.memory_space<semaphore_mem>>
      %dma_start3A_103 = arith.constant 0 : i32
      %dma_start3A_104 = tpu.memref_slice %arg5[%add3A_101, %dma_start3A_103] : memref<8192x128xf32, #tpu.memory_space<hbm>> -> memref<256x128xf32, #tpu.memory_space<hbm>>
      %dma_start3A_105 = arith.constant 0 : i32
      %dma_start3A_106 = tpu.memref_slice %arg9[%mul3A_96, %dma_start3A_105] : memref<4096x128xf32, #tpu.memory_space<vmem_shared>> -> memref<256x128xf32, #tpu.memory_space<vmem_shared>>
      tpu.enqueue_dma source(%dma_start3A_106 : memref<256x128xf32, #tpu.memory_space<vmem_shared>>) target(%dma_start3A_104 : memref<256x128xf32, #tpu.memory_space<hbm>>) target_semaphore(%run_scoped3A_102 : memref<!tpu.dma_semaphore, #tpu.memory_space<semaphore_mem>>)
      %dma_wait3A_107 = arith.constant 0 : i32
      %dma_wait3A_108 = tpu.memref_slice %arg5[%add3A_101, %dma_wait3A_107] : memref<8192x128xf32, #tpu.memory_space<hbm>> -> memref<256x128xf32, #tpu.memory_space<hbm>>
      %dma_wait3A_109 = arith.constant 0 : i32
      %dma_wait3A_110 = tpu.memref_slice %arg9[%mul3A_96, %dma_wait3A_109] : memref<4096x128xf32, #tpu.memory_space<vmem_shared>> -> memref<256x128xf32, #tpu.memory_space<vmem_shared>>
      tpu.wait_dma2 semaphore(%run_scoped3A_102 : memref<!tpu.dma_semaphore, #tpu.memory_space<semaphore_mem>>) src(%dma_wait3A_110 : memref<256x128xf32, #tpu.memory_space<vmem_shared>>) dst(%dma_wait3A_108 : memref<256x128xf32, #tpu.memory_space<hbm>>)
      tpu.yield
    }) : () -> ()
    return
  }
}

module attributes {stable_mosaic.version = 14 : i64} {
  func.func @_edge_body(%arg0: i32, %arg1: memref<512x32xf32, #tpu.memory_space<vmem>>, %arg2: memref<512x128xf32, #tpu.memory_space<vmem>>, %arg3: memref<512x34xf32, #tpu.memory_space<vmem>>, %arg4: memref<32x128xf32, #tpu.memory_space<vmem>>, %arg5: memref<1x128xf32, #tpu.memory_space<vmem>>, %arg6: memref<1x128xf32, #tpu.memory_space<vmem>>, %arg7: memref<1x128xf32, #tpu.memory_space<vmem>>, %arg8: memref<128x128xf32, #tpu.memory_space<vmem>>, %arg9: memref<1x128xf32, #tpu.memory_space<vmem>>, %arg10: memref<1x128xf32, #tpu.memory_space<vmem>>, %arg11: memref<1x128xf32, #tpu.memory_space<vmem>>, %arg12: memref<128x128xf32, #tpu.memory_space<vmem>>, %arg13: memref<128x1536xf32, #tpu.memory_space<vmem>>, %arg14: memref<1x1536xf32, #tpu.memory_space<vmem>>, %arg15: memref<16x256xf32, #tpu.memory_space<vmem>>, %arg16: memref<256x16xf32, #tpu.memory_space<vmem>>, %arg17: memref<34x896xf32, #tpu.memory_space<vmem>>, %arg18: memref<224x16xf32, #tpu.memory_space<vmem>>, %arg19: memref<512x128xf32, #tpu.memory_space<vmem>>) attributes {dimension_semantics = [#tpu.dimension_semantics<parallel>], iteration_bounds = array<i64: 64>, scalar_prefetch = 0 : i64, scratch_operands = 0 : i64, tpu.core_type = #tpu.core_type<tc>, window_params = [{transform_indices = @transform_0, window_bounds = array<i64: 512, 32>}, {transform_indices = @transform_1, window_bounds = array<i64: 512, 128>}, {transform_indices = @transform_2, window_bounds = array<i64: 512, 34>}, {pipeline_mode = #tpu.pipeline_mode<synchronous>, transform_indices = @transform_3, window_bounds = array<i64: 32, 128>}, {pipeline_mode = #tpu.pipeline_mode<synchronous>, transform_indices = @transform_4, window_bounds = array<i64: 1, 128>}, {pipeline_mode = #tpu.pipeline_mode<synchronous>, transform_indices = @transform_5, window_bounds = array<i64: 1, 128>}, {pipeline_mode = #tpu.pipeline_mode<synchronous>, transform_indices = @transform_6, window_bounds = array<i64: 1, 128>}, {pipeline_mode = #tpu.pipeline_mode<synchronous>, transform_indices = @transform_7, window_bounds = array<i64: 128, 128>}, {pipeline_mode = #tpu.pipeline_mode<synchronous>, transform_indices = @transform_8, window_bounds = array<i64: 1, 128>}, {pipeline_mode = #tpu.pipeline_mode<synchronous>, transform_indices = @transform_9, window_bounds = array<i64: 1, 128>}, {pipeline_mode = #tpu.pipeline_mode<synchronous>, transform_indices = @transform_10, window_bounds = array<i64: 1, 128>}, {pipeline_mode = #tpu.pipeline_mode<synchronous>, transform_indices = @transform_11, window_bounds = array<i64: 128, 128>}, {pipeline_mode = #tpu.pipeline_mode<synchronous>, transform_indices = @transform_12, window_bounds = array<i64: 128, 1536>}, {pipeline_mode = #tpu.pipeline_mode<synchronous>, transform_indices = @transform_13, window_bounds = array<i64: 1, 1536>}, {pipeline_mode = #tpu.pipeline_mode<synchronous>, transform_indices = @transform_14, window_bounds = array<i64: 16, 256>}, {pipeline_mode = #tpu.pipeline_mode<synchronous>, transform_indices = @transform_15, window_bounds = array<i64: 256, 16>}, {pipeline_mode = #tpu.pipeline_mode<synchronous>, transform_indices = @transform_16, window_bounds = array<i64: 34, 896>}, {pipeline_mode = #tpu.pipeline_mode<synchronous>, transform_indices = @transform_17, window_bounds = array<i64: 224, 16>}, {transform_indices = @transform_18, window_bounds = array<i64: 512, 128>}]} {
    %get3A = arith.constant 0 : index
    %get3A_0 = arith.constant 0 : index
    %get3A_1 = vector.load %arg12[%get3A, %get3A_0] : memref<128x128xf32, #tpu.memory_space<vmem>>, vector<128x128xf32>
    %get3A_2 = arith.constant 0 : index
    %get3A_3 = arith.constant 0 : index
    %get3A_4 = vector.load %arg1[%get3A_2, %get3A_3] : memref<512x32xf32, #tpu.memory_space<vmem>>, vector<512x32xf32>
    %get3A_5 = arith.constant 0 : index
    %get3A_6 = arith.constant 0 : index
    %get3A_7 = vector.load %arg4[%get3A_5, %get3A_6] : memref<32x128xf32, #tpu.memory_space<vmem>>, vector<32x128xf32>
    %dot_general3A = arith.constant dense<0.000000e+00> : vector<512x128xf32>
    %dot_general3A_8 = tpu.matmul %get3A_4, %get3A_7, %dot_general3A {dimension_numbers = #tpu.dot_dimension_numbers<[1], [0], [0], [1], [0, 0, 1, 1], [], []>, transpose_lhs_hint = false} : vector<512x32xf32>, vector<32x128xf32>, vector<512x128xf32> -> vector<512x128xf32>
    %get3A_9 = arith.constant 0 : index
    %get3A_10 = arith.constant 0 : index
    %get3A_11 = vector.load %arg5[%get3A_9, %get3A_10] : memref<1x128xf32, #tpu.memory_space<vmem>>, vector<1x128xf32>
    %add3A = vector.broadcast %get3A_11 : vector<1x128xf32> to vector<512x128xf32>
    %add3A_12 = arith.addf %dot_general3A_8, %add3A : vector<512x128xf32>
    %get3A_13 = arith.constant 0 : index
    %get3A_14 = arith.constant 0 : index
    %get3A_15 = vector.load %arg6[%get3A_13, %get3A_14] : memref<1x128xf32, #tpu.memory_space<vmem>>, vector<1x128xf32>
    %get3A_16 = arith.constant 0 : index
    %get3A_17 = arith.constant 0 : index
    %get3A_18 = vector.load %arg7[%get3A_16, %get3A_17] : memref<1x128xf32, #tpu.memory_space<vmem>>, vector<1x128xf32>
    %dot_general3A_19 = arith.constant dense<0.000000e+00> : vector<512x128xf32>
    %dot_general3A_20 = tpu.matmul %add3A_12, %get3A_1, %dot_general3A_19 {dimension_numbers = #tpu.dot_dimension_numbers<[1], [0], [0], [1], [0, 0, 1, 1], [], []>, transpose_lhs_hint = false} : vector<512x128xf32>, vector<128x128xf32>, vector<512x128xf32> -> vector<512x128xf32>
    %mul3A = arith.mulf %add3A_12, %add3A_12 : vector<512x128xf32>
    %dot_general3A_21 = arith.constant dense<0.000000e+00> : vector<512x128xf32>
    %dot_general3A_22 = tpu.matmul %mul3A, %get3A_1, %dot_general3A_21 {dimension_numbers = #tpu.dot_dimension_numbers<[1], [0], [0], [1], [0, 0, 1, 1], [], []>, transpose_lhs_hint = false} : vector<512x128xf32>, vector<128x128xf32>, vector<512x128xf32> -> vector<512x128xf32>
    %mul3A_23 = arith.mulf %dot_general3A_20, %dot_general3A_20 : vector<512x128xf32>
    %sub3A = arith.subf %dot_general3A_22, %mul3A_23 : vector<512x128xf32>
    %sub3A_24 = arith.subf %add3A_12, %dot_general3A_20 : vector<512x128xf32>
    %add3A_25 = arith.constant 9.99999974E-6 : f32
    %add3A_26 = vector.broadcast %add3A_25 : f32 to vector<512x128xf32>
    %add3A_27 = arith.addf %sub3A, %add3A_26 : vector<512x128xf32>
    %sqrt3A = math.sqrt %add3A_27 : vector<512x128xf32>
    %div3A = arith.divf %sub3A_24, %sqrt3A : vector<512x128xf32>
    %mul3A_28 = vector.broadcast %get3A_15 : vector<1x128xf32> to vector<512x128xf32>
    %mul3A_29 = arith.mulf %div3A, %mul3A_28 : vector<512x128xf32>
    %add3A_30 = vector.broadcast %get3A_18 : vector<1x128xf32> to vector<512x128xf32>
    %add3A_31 = arith.addf %mul3A_29, %add3A_30 : vector<512x128xf32>
    %max3A = arith.constant 0.000000e+00 : f32
    %max3A_32 = vector.broadcast %max3A : f32 to vector<512x128xf32>
    %max3A_33 = arith.maximumf %add3A_31, %max3A_32 : vector<512x128xf32>
    %get3A_34 = arith.constant 0 : index
    %get3A_35 = arith.constant 0 : index
    %get3A_36 = vector.load %arg8[%get3A_34, %get3A_35] : memref<128x128xf32, #tpu.memory_space<vmem>>, vector<128x128xf32>
    %dot_general3A_37 = arith.constant dense<0.000000e+00> : vector<512x128xf32>
    %dot_general3A_38 = tpu.matmul %max3A_33, %get3A_36, %dot_general3A_37 {dimension_numbers = #tpu.dot_dimension_numbers<[1], [0], [0], [1], [0, 0, 1, 1], [], []>, transpose_lhs_hint = false} : vector<512x128xf32>, vector<128x128xf32>, vector<512x128xf32> -> vector<512x128xf32>
    %get3A_39 = arith.constant 0 : index
    %get3A_40 = arith.constant 0 : index
    %get3A_41 = vector.load %arg9[%get3A_39, %get3A_40] : memref<1x128xf32, #tpu.memory_space<vmem>>, vector<1x128xf32>
    %add3A_42 = vector.broadcast %get3A_41 : vector<1x128xf32> to vector<512x128xf32>
    %add3A_43 = arith.addf %dot_general3A_38, %add3A_42 : vector<512x128xf32>
    %get3A_44 = arith.constant 0 : index
    %get3A_45 = arith.constant 0 : index
    %get3A_46 = vector.load %arg10[%get3A_44, %get3A_45] : memref<1x128xf32, #tpu.memory_space<vmem>>, vector<1x128xf32>
    %get3A_47 = arith.constant 0 : index
    %get3A_48 = arith.constant 0 : index
    %get3A_49 = vector.load %arg11[%get3A_47, %get3A_48] : memref<1x128xf32, #tpu.memory_space<vmem>>, vector<1x128xf32>
    %dot_general3A_50 = arith.constant dense<0.000000e+00> : vector<512x128xf32>
    %dot_general3A_51 = tpu.matmul %add3A_43, %get3A_1, %dot_general3A_50 {dimension_numbers = #tpu.dot_dimension_numbers<[1], [0], [0], [1], [0, 0, 1, 1], [], []>, transpose_lhs_hint = false} : vector<512x128xf32>, vector<128x128xf32>, vector<512x128xf32> -> vector<512x128xf32>
    %mul3A_52 = arith.mulf %add3A_43, %add3A_43 : vector<512x128xf32>
    %dot_general3A_53 = arith.constant dense<0.000000e+00> : vector<512x128xf32>
    %dot_general3A_54 = tpu.matmul %mul3A_52, %get3A_1, %dot_general3A_53 {dimension_numbers = #tpu.dot_dimension_numbers<[1], [0], [0], [1], [0, 0, 1, 1], [], []>, transpose_lhs_hint = false} : vector<512x128xf32>, vector<128x128xf32>, vector<512x128xf32> -> vector<512x128xf32>
    %mul3A_55 = arith.mulf %dot_general3A_51, %dot_general3A_51 : vector<512x128xf32>
    %sub3A_56 = arith.subf %dot_general3A_54, %mul3A_55 : vector<512x128xf32>
    %sub3A_57 = arith.subf %add3A_43, %dot_general3A_51 : vector<512x128xf32>
    %add3A_58 = arith.constant 9.99999974E-6 : f32
    %add3A_59 = vector.broadcast %add3A_58 : f32 to vector<512x128xf32>
    %add3A_60 = arith.addf %sub3A_56, %add3A_59 : vector<512x128xf32>
    %sqrt3A_61 = math.sqrt %add3A_60 : vector<512x128xf32>
    %div3A_62 = arith.divf %sub3A_57, %sqrt3A_61 : vector<512x128xf32>
    %mul3A_63 = vector.broadcast %get3A_46 : vector<1x128xf32> to vector<512x128xf32>
    %mul3A_64 = arith.mulf %div3A_62, %mul3A_63 : vector<512x128xf32>
    %add3A_65 = vector.broadcast %get3A_49 : vector<1x128xf32> to vector<512x128xf32>
    %add3A_66 = arith.addf %mul3A_64, %add3A_65 : vector<512x128xf32>
    %max3A_67 = arith.constant 0.000000e+00 : f32
    %max3A_68 = vector.broadcast %max3A_67 : f32 to vector<512x128xf32>
    %max3A_69 = arith.maximumf %add3A_66, %max3A_68 : vector<512x128xf32>
    %get3A_70 = arith.constant 0 : index
    %get3A_71 = arith.constant 0 : index
    %get3A_72 = vector.load %arg13[%get3A_70, %get3A_71] : memref<128x1536xf32, #tpu.memory_space<vmem>>, vector<128x1536xf32>
    %dot_general3A_73 = arith.constant dense<0.000000e+00> : vector<512x1536xf32>
    %dot_general3A_74 = tpu.matmul %max3A_69, %get3A_72, %dot_general3A_73 {dimension_numbers = #tpu.dot_dimension_numbers<[1], [0], [0], [1], [0, 0, 1, 1], [], []>, transpose_lhs_hint = false} : vector<512x128xf32>, vector<128x1536xf32>, vector<512x1536xf32> -> vector<512x1536xf32>
    %get3A_75 = arith.constant 0 : index
    %get3A_76 = arith.constant 0 : index
    %get3A_77 = vector.load %arg14[%get3A_75, %get3A_76] : memref<1x1536xf32, #tpu.memory_space<vmem>>, vector<1x1536xf32>
    %add3A_78 = vector.broadcast %get3A_77 : vector<1x1536xf32> to vector<512x1536xf32>
    %add3A_79 = arith.addf %dot_general3A_74, %add3A_78 : vector<512x1536xf32>
    %get3A_80 = arith.constant 0 : index
    %get3A_81 = arith.constant 0 : index
    %get3A_82 = vector.load %arg2[%get3A_80, %get3A_81] : memref<512x128xf32, #tpu.memory_space<vmem>>, vector<512x128xf32>
    %get3A_83 = arith.constant 0 : index
    %get3A_84 = arith.constant 0 : index
    %get3A_85 = vector.load %arg15[%get3A_83, %get3A_84] : memref<16x256xf32, #tpu.memory_space<vmem>>, vector<16x256xf32>
    %get3A_86 = arith.constant 0 : index
    %get3A_87 = arith.constant 0 : index
    %get3A_88 = vector.load %arg16[%get3A_86, %get3A_87] : memref<256x16xf32, #tpu.memory_space<vmem>>, vector<256x16xf32>
    %slice3A = vector.extract_strided_slice %get3A_82 {offsets = [0, 0], sizes = [512, 16], strides = [1, 1]} : vector<512x128xf32> to vector<512x16xf32>
    %dot_general3A_89 = arith.constant dense<0.000000e+00> : vector<512x256xf32>
    %dot_general3A_90 = tpu.matmul %slice3A, %get3A_85, %dot_general3A_89 {dimension_numbers = #tpu.dot_dimension_numbers<[1], [0], [0], [1], [0, 0, 1, 1], [], []>, transpose_lhs_hint = false} : vector<512x16xf32>, vector<16x256xf32>, vector<512x256xf32> -> vector<512x256xf32>
    %slice3A_91 = vector.extract_strided_slice %get3A_82 {offsets = [0, 16], sizes = [512, 16], strides = [1, 1]} : vector<512x128xf32> to vector<512x16xf32>
    %dot_general3A_92 = arith.constant dense<0.000000e+00> : vector<512x256xf32>
    %dot_general3A_93 = tpu.matmul %slice3A_91, %get3A_85, %dot_general3A_92 {dimension_numbers = #tpu.dot_dimension_numbers<[1], [0], [0], [1], [0, 0, 1, 1], [], []>, transpose_lhs_hint = false} : vector<512x16xf32>, vector<16x256xf32>, vector<512x256xf32> -> vector<512x256xf32>
    %slice3A_94 = vector.extract_strided_slice %get3A_82 {offsets = [0, 32], sizes = [512, 16], strides = [1, 1]} : vector<512x128xf32> to vector<512x16xf32>
    %dot_general3A_95 = arith.constant dense<0.000000e+00> : vector<512x256xf32>
    %dot_general3A_96 = tpu.matmul %slice3A_94, %get3A_85, %dot_general3A_95 {dimension_numbers = #tpu.dot_dimension_numbers<[1], [0], [0], [1], [0, 0, 1, 1], [], []>, transpose_lhs_hint = false} : vector<512x16xf32>, vector<16x256xf32>, vector<512x256xf32> -> vector<512x256xf32>
    %slice3A_97 = vector.extract_strided_slice %get3A_82 {offsets = [0, 48], sizes = [512, 16], strides = [1, 1]} : vector<512x128xf32> to vector<512x16xf32>
    %dot_general3A_98 = arith.constant dense<0.000000e+00> : vector<512x256xf32>
    %dot_general3A_99 = tpu.matmul %slice3A_97, %get3A_85, %dot_general3A_98 {dimension_numbers = #tpu.dot_dimension_numbers<[1], [0], [0], [1], [0, 0, 1, 1], [], []>, transpose_lhs_hint = false} : vector<512x16xf32>, vector<16x256xf32>, vector<512x256xf32> -> vector<512x256xf32>
    %slice3A_100 = vector.extract_strided_slice %add3A_79 {offsets = [0, 0], sizes = [512, 256], strides = [1, 1]} : vector<512x1536xf32> to vector<512x256xf32>
    %slice3A_101 = vector.extract_strided_slice %add3A_79 {offsets = [0, 256], sizes = [512, 256], strides = [1, 1]} : vector<512x1536xf32> to vector<512x256xf32>
    %slice3A_102 = vector.extract_strided_slice %add3A_79 {offsets = [0, 512], sizes = [512, 256], strides = [1, 1]} : vector<512x1536xf32> to vector<512x256xf32>
    %slice3A_103 = vector.extract_strided_slice %add3A_79 {offsets = [0, 768], sizes = [512, 256], strides = [1, 1]} : vector<512x1536xf32> to vector<512x256xf32>
    %slice3A_104 = vector.extract_strided_slice %add3A_79 {offsets = [0, 1024], sizes = [512, 256], strides = [1, 1]} : vector<512x1536xf32> to vector<512x256xf32>
    %slice3A_105 = vector.extract_strided_slice %add3A_79 {offsets = [0, 1280], sizes = [512, 256], strides = [1, 1]} : vector<512x1536xf32> to vector<512x256xf32>
    %mul3A_106 = arith.mulf %slice3A_100, %dot_general3A_90 : vector<512x256xf32>
    %mul3A_107 = arith.mulf %slice3A_101, %dot_general3A_90 : vector<512x256xf32>
    %mul3A_108 = arith.mulf %slice3A_102, %dot_general3A_93 : vector<512x256xf32>
    %mul3A_109 = arith.mulf %slice3A_102, %dot_general3A_96 : vector<512x256xf32>
    %mul3A_110 = arith.mulf %slice3A_102, %dot_general3A_99 : vector<512x256xf32>
    %mul3A_111 = arith.mulf %slice3A_103, %dot_general3A_93 : vector<512x256xf32>
    %mul3A_112 = arith.mulf %slice3A_103, %dot_general3A_96 : vector<512x256xf32>
    %mul3A_113 = arith.mulf %slice3A_103, %dot_general3A_99 : vector<512x256xf32>
    %mul3A_114 = arith.mulf %slice3A_104, %dot_general3A_93 : vector<512x256xf32>
    %mul3A_115 = arith.mulf %slice3A_104, %dot_general3A_96 : vector<512x256xf32>
    %mul3A_116 = arith.mulf %slice3A_104, %dot_general3A_99 : vector<512x256xf32>
    %mul3A_117 = arith.mulf %slice3A_105, %dot_general3A_93 : vector<512x256xf32>
    %mul3A_118 = arith.mulf %slice3A_105, %dot_general3A_96 : vector<512x256xf32>
    %mul3A_119 = arith.mulf %slice3A_105, %dot_general3A_99 : vector<512x256xf32>
    %dot_general3A_120 = arith.constant dense<0.000000e+00> : vector<512x16xf32>
    %dot_general3A_121 = tpu.matmul %mul3A_106, %get3A_88, %dot_general3A_120 {dimension_numbers = #tpu.dot_dimension_numbers<[1], [0], [0], [1], [0, 0, 1, 1], [], []>, transpose_lhs_hint = false} : vector<512x256xf32>, vector<256x16xf32>, vector<512x16xf32> -> vector<512x16xf32>
    %dot_general3A_122 = arith.constant dense<0.000000e+00> : vector<512x16xf32>
    %dot_general3A_123 = tpu.matmul %mul3A_107, %get3A_88, %dot_general3A_122 {dimension_numbers = #tpu.dot_dimension_numbers<[1], [0], [0], [1], [0, 0, 1, 1], [], []>, transpose_lhs_hint = false} : vector<512x256xf32>, vector<256x16xf32>, vector<512x16xf32> -> vector<512x16xf32>
    %dot_general3A_124 = arith.constant dense<0.000000e+00> : vector<512x16xf32>
    %dot_general3A_125 = tpu.matmul %mul3A_108, %get3A_88, %dot_general3A_124 {dimension_numbers = #tpu.dot_dimension_numbers<[1], [0], [0], [1], [0, 0, 1, 1], [], []>, transpose_lhs_hint = false} : vector<512x256xf32>, vector<256x16xf32>, vector<512x16xf32> -> vector<512x16xf32>
    %dot_general3A_126 = arith.constant dense<0.000000e+00> : vector<512x16xf32>
    %dot_general3A_127 = tpu.matmul %mul3A_109, %get3A_88, %dot_general3A_126 {dimension_numbers = #tpu.dot_dimension_numbers<[1], [0], [0], [1], [0, 0, 1, 1], [], []>, transpose_lhs_hint = false} : vector<512x256xf32>, vector<256x16xf32>, vector<512x16xf32> -> vector<512x16xf32>
    %dot_general3A_128 = arith.constant dense<0.000000e+00> : vector<512x16xf32>
    %dot_general3A_129 = tpu.matmul %mul3A_110, %get3A_88, %dot_general3A_128 {dimension_numbers = #tpu.dot_dimension_numbers<[1], [0], [0], [1], [0, 0, 1, 1], [], []>, transpose_lhs_hint = false} : vector<512x256xf32>, vector<256x16xf32>, vector<512x16xf32> -> vector<512x16xf32>
    %dot_general3A_130 = arith.constant dense<0.000000e+00> : vector<512x16xf32>
    %dot_general3A_131 = tpu.matmul %mul3A_111, %get3A_88, %dot_general3A_130 {dimension_numbers = #tpu.dot_dimension_numbers<[1], [0], [0], [1], [0, 0, 1, 1], [], []>, transpose_lhs_hint = false} : vector<512x256xf32>, vector<256x16xf32>, vector<512x16xf32> -> vector<512x16xf32>
    %dot_general3A_132 = arith.constant dense<0.000000e+00> : vector<512x16xf32>
    %dot_general3A_133 = tpu.matmul %mul3A_112, %get3A_88, %dot_general3A_132 {dimension_numbers = #tpu.dot_dimension_numbers<[1], [0], [0], [1], [0, 0, 1, 1], [], []>, transpose_lhs_hint = false} : vector<512x256xf32>, vector<256x16xf32>, vector<512x16xf32> -> vector<512x16xf32>
    %dot_general3A_134 = arith.constant dense<0.000000e+00> : vector<512x16xf32>
    %dot_general3A_135 = tpu.matmul %mul3A_113, %get3A_88, %dot_general3A_134 {dimension_numbers = #tpu.dot_dimension_numbers<[1], [0], [0], [1], [0, 0, 1, 1], [], []>, transpose_lhs_hint = false} : vector<512x256xf32>, vector<256x16xf32>, vector<512x16xf32> -> vector<512x16xf32>
    %dot_general3A_136 = arith.constant dense<0.000000e+00> : vector<512x16xf32>
    %dot_general3A_137 = tpu.matmul %mul3A_114, %get3A_88, %dot_general3A_136 {dimension_numbers = #tpu.dot_dimension_numbers<[1], [0], [0], [1], [0, 0, 1, 1], [], []>, transpose_lhs_hint = false} : vector<512x256xf32>, vector<256x16xf32>, vector<512x16xf32> -> vector<512x16xf32>
    %dot_general3A_138 = arith.constant dense<0.000000e+00> : vector<512x16xf32>
    %dot_general3A_139 = tpu.matmul %mul3A_115, %get3A_88, %dot_general3A_138 {dimension_numbers = #tpu.dot_dimension_numbers<[1], [0], [0], [1], [0, 0, 1, 1], [], []>, transpose_lhs_hint = false} : vector<512x256xf32>, vector<256x16xf32>, vector<512x16xf32> -> vector<512x16xf32>
    %dot_general3A_140 = arith.constant dense<0.000000e+00> : vector<512x16xf32>
    %dot_general3A_141 = tpu.matmul %mul3A_116, %get3A_88, %dot_general3A_140 {dimension_numbers = #tpu.dot_dimension_numbers<[1], [0], [0], [1], [0, 0, 1, 1], [], []>, transpose_lhs_hint = false} : vector<512x256xf32>, vector<256x16xf32>, vector<512x16xf32> -> vector<512x16xf32>
    %dot_general3A_142 = arith.constant dense<0.000000e+00> : vector<512x16xf32>
    %dot_general3A_143 = tpu.matmul %mul3A_117, %get3A_88, %dot_general3A_142 {dimension_numbers = #tpu.dot_dimension_numbers<[1], [0], [0], [1], [0, 0, 1, 1], [], []>, transpose_lhs_hint = false} : vector<512x256xf32>, vector<256x16xf32>, vector<512x16xf32> -> vector<512x16xf32>
    %dot_general3A_144 = arith.constant dense<0.000000e+00> : vector<512x16xf32>
    %dot_general3A_145 = tpu.matmul %mul3A_118, %get3A_88, %dot_general3A_144 {dimension_numbers = #tpu.dot_dimension_numbers<[1], [0], [0], [1], [0, 0, 1, 1], [], []>, transpose_lhs_hint = false} : vector<512x256xf32>, vector<256x16xf32>, vector<512x16xf32> -> vector<512x16xf32>
    %dot_general3A_146 = arith.constant dense<0.000000e+00> : vector<512x16xf32>
    %dot_general3A_147 = tpu.matmul %mul3A_119, %get3A_88, %dot_general3A_146 {dimension_numbers = #tpu.dot_dimension_numbers<[1], [0], [0], [1], [0, 0, 1, 1], [], []>, transpose_lhs_hint = false} : vector<512x256xf32>, vector<256x16xf32>, vector<512x16xf32> -> vector<512x16xf32>
    %concatenate3A = tpu.concatenate %dot_general3A_121, %dot_general3A_123, %dot_general3A_125, %dot_general3A_127, %dot_general3A_129, %dot_general3A_131, %dot_general3A_133, %dot_general3A_135, %dot_general3A_137, %dot_general3A_139, %dot_general3A_141, %dot_general3A_143, %dot_general3A_145, %dot_general3A_147 in 1 : vector<512x16xf32>, vector<512x16xf32>, vector<512x16xf32>, vector<512x16xf32>, vector<512x16xf32>, vector<512x16xf32>, vector<512x16xf32>, vector<512x16xf32>, vector<512x16xf32>, vector<512x16xf32>, vector<512x16xf32>, vector<512x16xf32>, vector<512x16xf32>, vector<512x16xf32> -> vector<512x224xf32>
    %get3A_148 = arith.constant 0 : index
    %get3A_149 = arith.constant 0 : index
    %get3A_150 = vector.load %arg3[%get3A_148, %get3A_149] : memref<512x34xf32, #tpu.memory_space<vmem>>, vector<512x34xf32>
    %get3A_151 = arith.constant 0 : index
    %get3A_152 = arith.constant 0 : index
    %get3A_153 = vector.load %arg17[%get3A_151, %get3A_152] : memref<34x896xf32, #tpu.memory_space<vmem>>, vector<34x896xf32>
    %dot_general3A_154 = arith.constant dense<0.000000e+00> : vector<512x896xf32>
    %dot_general3A_155 = tpu.matmul %get3A_150, %get3A_153, %dot_general3A_154 {dimension_numbers = #tpu.dot_dimension_numbers<[1], [0], [0], [1], [0, 0, 1, 1], [], []>, transpose_lhs_hint = false} : vector<512x34xf32>, vector<34x896xf32>, vector<512x896xf32> -> vector<512x896xf32>
    %get3A_156 = arith.constant 0 : index
    %get3A_157 = arith.constant 0 : index
    %get3A_158 = vector.load %arg18[%get3A_156, %get3A_157] : memref<224x16xf32, #tpu.memory_space<vmem>>, vector<224x16xf32>
    %slice3A_159 = vector.extract_strided_slice %dot_general3A_155 {offsets = [0, 0], sizes = [512, 224], strides = [1, 1]} : vector<512x896xf32> to vector<512x224xf32>
    %mul3A_160 = arith.mulf %concatenate3A, %slice3A_159 : vector<512x224xf32>
    %dot_general3A_161 = arith.constant dense<0.000000e+00> : vector<512x16xf32>
    %dot_general3A_162 = tpu.matmul %mul3A_160, %get3A_158, %dot_general3A_161 {dimension_numbers = #tpu.dot_dimension_numbers<[1], [0], [0], [1], [0, 0, 1, 1], [], []>, transpose_lhs_hint = false} : vector<512x224xf32>, vector<224x16xf32>, vector<512x16xf32> -> vector<512x16xf32>
    %slice3A_163 = vector.extract_strided_slice %dot_general3A_155 {offsets = [0, 224], sizes = [512, 224], strides = [1, 1]} : vector<512x896xf32> to vector<512x224xf32>
    %mul3A_164 = arith.mulf %concatenate3A, %slice3A_163 : vector<512x224xf32>
    %dot_general3A_165 = arith.constant dense<0.000000e+00> : vector<512x16xf32>
    %dot_general3A_166 = tpu.matmul %mul3A_164, %get3A_158, %dot_general3A_165 {dimension_numbers = #tpu.dot_dimension_numbers<[1], [0], [0], [1], [0, 0, 1, 1], [], []>, transpose_lhs_hint = false} : vector<512x224xf32>, vector<224x16xf32>, vector<512x16xf32> -> vector<512x16xf32>
    %slice3A_167 = vector.extract_strided_slice %dot_general3A_155 {offsets = [0, 448], sizes = [512, 224], strides = [1, 1]} : vector<512x896xf32> to vector<512x224xf32>
    %mul3A_168 = arith.mulf %concatenate3A, %slice3A_167 : vector<512x224xf32>
    %dot_general3A_169 = arith.constant dense<0.000000e+00> : vector<512x16xf32>
    %dot_general3A_170 = tpu.matmul %mul3A_168, %get3A_158, %dot_general3A_169 {dimension_numbers = #tpu.dot_dimension_numbers<[1], [0], [0], [1], [0, 0, 1, 1], [], []>, transpose_lhs_hint = false} : vector<512x224xf32>, vector<224x16xf32>, vector<512x16xf32> -> vector<512x16xf32>
    %slice3A_171 = vector.extract_strided_slice %dot_general3A_155 {offsets = [0, 672], sizes = [512, 224], strides = [1, 1]} : vector<512x896xf32> to vector<512x224xf32>
    %mul3A_172 = arith.mulf %concatenate3A, %slice3A_171 : vector<512x224xf32>
    %dot_general3A_173 = arith.constant dense<0.000000e+00> : vector<512x16xf32>
    %dot_general3A_174 = tpu.matmul %mul3A_172, %get3A_158, %dot_general3A_173 {dimension_numbers = #tpu.dot_dimension_numbers<[1], [0], [0], [1], [0, 0, 1, 1], [], []>, transpose_lhs_hint = false} : vector<512x224xf32>, vector<224x16xf32>, vector<512x16xf32> -> vector<512x16xf32>
    %broadcast_in_dim3A = arith.constant 1.000000e+00 : f32
    %broadcast_in_dim3A_175 = vector.broadcast %broadcast_in_dim3A : f32 to vector<512x16xf32>
    %broadcast_in_dim3A_176 = arith.constant 0.000000e+00 : f32
    %broadcast_in_dim3A_177 = vector.broadcast %broadcast_in_dim3A_176 : f32 to vector<512x48xf32>
    %concatenate3A_178 = tpu.concatenate %dot_general3A_162, %dot_general3A_166, %dot_general3A_170, %dot_general3A_174, %broadcast_in_dim3A_175, %broadcast_in_dim3A_177 in 1 : vector<512x16xf32>, vector<512x16xf32>, vector<512x16xf32>, vector<512x16xf32>, vector<512x16xf32>, vector<512x48xf32> -> vector<512x128xf32>
    %swap3A = arith.constant 0 : index
    %swap3A_179 = arith.constant 0 : index
    %swap3A_180 = vector.load %arg19[%swap3A, %swap3A_179] : memref<512x128xf32, #tpu.memory_space<vmem>>, vector<512x128xf32>
    tpu.vector_store %arg19[%swap3A, %swap3A_179], %concatenate3A_178 {strides = array<i32>} : memref<512x128xf32, #tpu.memory_space<vmem>>, vector<512x128xf32>,
    return
  }
  func.func @transform_0(%arg0: i32) -> (i32, i32) {
    %c0_i32 = arith.constant 0 : i32
    %c0_i32_0 = arith.constant 0 : i32
    return %arg0, %c0_i32 : i32, i32
  }
  func.func @transform_1(%arg0: i32) -> (i32, i32) {
    %c0_i32 = arith.constant 0 : i32
    %c0_i32_0 = arith.constant 0 : i32
    return %arg0, %c0_i32 : i32, i32
  }
  func.func @transform_2(%arg0: i32) -> (i32, i32) {
    %c0_i32 = arith.constant 0 : i32
    %c0_i32_0 = arith.constant 0 : i32
    return %arg0, %c0_i32 : i32, i32
  }
  func.func @transform_3(%arg0: i32) -> (i32, i32) {
    %c0_i32 = arith.constant 0 : i32
    %c0_i32_0 = arith.constant 0 : i32
    %c0_i32_1 = arith.constant 0 : i32
    return %c0_i32, %c0_i32_0 : i32, i32
  }
  func.func @transform_4(%arg0: i32) -> (i32, i32) {
    %c0_i32 = arith.constant 0 : i32
    %c0_i32_0 = arith.constant 0 : i32
    %c0_i32_1 = arith.constant 0 : i32
    return %c0_i32, %c0_i32_0 : i32, i32
  }
  func.func @transform_5(%arg0: i32) -> (i32, i32) {
    %c0_i32 = arith.constant 0 : i32
    %c0_i32_0 = arith.constant 0 : i32
    %c0_i32_1 = arith.constant 0 : i32
    return %c0_i32, %c0_i32_0 : i32, i32
  }
  func.func @transform_6(%arg0: i32) -> (i32, i32) {
    %c0_i32 = arith.constant 0 : i32
    %c0_i32_0 = arith.constant 0 : i32
    %c0_i32_1 = arith.constant 0 : i32
    return %c0_i32, %c0_i32_0 : i32, i32
  }
  func.func @transform_7(%arg0: i32) -> (i32, i32) {
    %c0_i32 = arith.constant 0 : i32
    %c0_i32_0 = arith.constant 0 : i32
    %c0_i32_1 = arith.constant 0 : i32
    return %c0_i32, %c0_i32_0 : i32, i32
  }
  func.func @transform_8(%arg0: i32) -> (i32, i32) {
    %c0_i32 = arith.constant 0 : i32
    %c0_i32_0 = arith.constant 0 : i32
    %c0_i32_1 = arith.constant 0 : i32
    return %c0_i32, %c0_i32_0 : i32, i32
  }
  func.func @transform_9(%arg0: i32) -> (i32, i32) {
    %c0_i32 = arith.constant 0 : i32
    %c0_i32_0 = arith.constant 0 : i32
    %c0_i32_1 = arith.constant 0 : i32
    return %c0_i32, %c0_i32_0 : i32, i32
  }
  func.func @transform_10(%arg0: i32) -> (i32, i32) {
    %c0_i32 = arith.constant 0 : i32
    %c0_i32_0 = arith.constant 0 : i32
    %c0_i32_1 = arith.constant 0 : i32
    return %c0_i32, %c0_i32_0 : i32, i32
  }
  func.func @transform_11(%arg0: i32) -> (i32, i32) {
    %c0_i32 = arith.constant 0 : i32
    %c0_i32_0 = arith.constant 0 : i32
    %c0_i32_1 = arith.constant 0 : i32
    return %c0_i32, %c0_i32_0 : i32, i32
  }
  func.func @transform_12(%arg0: i32) -> (i32, i32) {
    %c0_i32 = arith.constant 0 : i32
    %c0_i32_0 = arith.constant 0 : i32
    %c0_i32_1 = arith.constant 0 : i32
    return %c0_i32, %c0_i32_0 : i32, i32
  }
  func.func @transform_13(%arg0: i32) -> (i32, i32) {
    %c0_i32 = arith.constant 0 : i32
    %c0_i32_0 = arith.constant 0 : i32
    %c0_i32_1 = arith.constant 0 : i32
    return %c0_i32, %c0_i32_0 : i32, i32
  }
  func.func @transform_14(%arg0: i32) -> (i32, i32) {
    %c0_i32 = arith.constant 0 : i32
    %c0_i32_0 = arith.constant 0 : i32
    %c0_i32_1 = arith.constant 0 : i32
    return %c0_i32, %c0_i32_0 : i32, i32
  }
  func.func @transform_15(%arg0: i32) -> (i32, i32) {
    %c0_i32 = arith.constant 0 : i32
    %c0_i32_0 = arith.constant 0 : i32
    %c0_i32_1 = arith.constant 0 : i32
    return %c0_i32, %c0_i32_0 : i32, i32
  }
  func.func @transform_16(%arg0: i32) -> (i32, i32) {
    %c0_i32 = arith.constant 0 : i32
    %c0_i32_0 = arith.constant 0 : i32
    %c0_i32_1 = arith.constant 0 : i32
    return %c0_i32, %c0_i32_0 : i32, i32
  }
  func.func @transform_17(%arg0: i32) -> (i32, i32) {
    %c0_i32 = arith.constant 0 : i32
    %c0_i32_0 = arith.constant 0 : i32
    %c0_i32_1 = arith.constant 0 : i32
    return %c0_i32, %c0_i32_0 : i32, i32
  }
  func.func @transform_18(%arg0: i32) -> (i32, i32) {
    %c0_i32 = arith.constant 0 : i32
    %c0_i32_0 = arith.constant 0 : i32
    return %arg0, %c0_i32 : i32, i32
  }
}

module attributes {stable_mosaic.version = 14 : i64} {
  func.func @_combine_body(%arg0: i32, %arg1: memref<1024x128xf32, #tpu.memory_space<vmem>>, %arg2: memref<1024x128xf32, #tpu.memory_space<vmem>>, %arg3: memref<1024x64xf32, #tpu.memory_space<vmem>>, %arg4: memref<16x16xf32, #tpu.memory_space<vmem>>, %arg5: memref<48x48xf32, #tpu.memory_space<vmem>>, %arg6: memref<1024x16xf32, #tpu.memory_space<vmem>>, %arg7: memref<1024x48xf32, #tpu.memory_space<vmem>>) attributes {dimension_semantics = [#tpu.dimension_semantics<arbitrary>], iteration_bounds = array<i64: 4>, scalar_prefetch = 0 : i64, scratch_operands = 0 : i64, tpu.core_type = #tpu.core_type<tc>, window_params = [{transform_indices = @transform_0, window_bounds = array<i64: 1024, 128>}, {transform_indices = @transform_1, window_bounds = array<i64: 1024, 128>}, {transform_indices = @transform_2, window_bounds = array<i64: 1024, 64>}, {pipeline_mode = #tpu.pipeline_mode<synchronous>, transform_indices = @transform_3, window_bounds = array<i64: 16, 16>}, {pipeline_mode = #tpu.pipeline_mode<synchronous>, transform_indices = @transform_4, window_bounds = array<i64: 48, 48>}, {transform_indices = @transform_5, window_bounds = array<i64: 1024, 16>}, {transform_indices = @transform_6, window_bounds = array<i64: 1024, 48>}]} {
    %get3A = arith.constant 0 : index
    %get3A_0 = arith.constant 0 : index
    %get3A_1 = vector.load %arg1[%get3A, %get3A_0] : memref<1024x128xf32, #tpu.memory_space<vmem>>, vector<1024x128xf32>
    %get3A_2 = arith.constant 0 : index
    %get3A_3 = arith.constant 0 : index
    %get3A_4 = vector.load %arg2[%get3A_2, %get3A_3] : memref<1024x128xf32, #tpu.memory_space<vmem>>, vector<1024x128xf32>
    %add3A = arith.addf %get3A_1, %get3A_4 : vector<1024x128xf32>
    %slice3A = vector.extract_strided_slice %add3A {offsets = [0, 64], sizes = [1024, 1], strides = [1, 1]} : vector<1024x128xf32> to vector<1024x1xf32>
    %max3A = arith.constant 1.000000e+00 : f32
    %max3A_5 = vector.broadcast %max3A : f32 to vector<1024x1xf32>
    %max3A_6 = arith.maximumf %slice3A, %max3A_5 : vector<1024x1xf32>
    %get3A_7 = arith.constant 0 : index
    %get3A_8 = arith.constant 0 : index
    %get3A_9 = vector.load %arg3[%get3A_7, %get3A_8] : memref<1024x64xf32, #tpu.memory_space<vmem>>, vector<1024x64xf32>
    %slice3A_10 = vector.extract_strided_slice %get3A_9 {offsets = [0, 0], sizes = [1024, 16], strides = [1, 1]} : vector<1024x64xf32> to vector<1024x16xf32>
    %get3A_11 = arith.constant 0 : index
    %get3A_12 = arith.constant 0 : index
    %get3A_13 = vector.load %arg4[%get3A_11, %get3A_12] : memref<16x16xf32, #tpu.memory_space<vmem>>, vector<16x16xf32>
    %dot_general3A = arith.constant dense<0.000000e+00> : vector<1024x16xf32>
    %dot_general3A_14 = tpu.matmul %slice3A_10, %get3A_13, %dot_general3A {dimension_numbers = #tpu.dot_dimension_numbers<[1], [0], [0], [1], [0, 0, 1, 1], [], []>, transpose_lhs_hint = false} : vector<1024x16xf32>, vector<16x16xf32>, vector<1024x16xf32> -> vector<1024x16xf32>
    %slice3A_15 = vector.extract_strided_slice %get3A_9 {offsets = [0, 16], sizes = [1024, 48], strides = [1, 1]} : vector<1024x64xf32> to vector<1024x48xf32>
    %get3A_16 = arith.constant 0 : index
    %get3A_17 = arith.constant 0 : index
    %get3A_18 = vector.load %arg5[%get3A_16, %get3A_17] : memref<48x48xf32, #tpu.memory_space<vmem>>, vector<48x48xf32>
    %dot_general3A_19 = arith.constant dense<0.000000e+00> : vector<1024x48xf32>
    %dot_general3A_20 = tpu.matmul %slice3A_15, %get3A_18, %dot_general3A_19 {dimension_numbers = #tpu.dot_dimension_numbers<[1], [0], [0], [1], [0, 0, 1, 1], [], []>, transpose_lhs_hint = false} : vector<1024x48xf32>, vector<48x48xf32>, vector<1024x48xf32> -> vector<1024x48xf32>
    %slice3A_21 = vector.extract_strided_slice %add3A {offsets = [0, 0], sizes = [1024, 16], strides = [1, 1]} : vector<1024x128xf32> to vector<1024x16xf32>
    %mul3A = vector.broadcast %slice3A : vector<1024x1xf32> to vector<1024x16xf32>
    %mul3A_22 = arith.mulf %mul3A, %dot_general3A_14 : vector<1024x16xf32>
    %add3A_23 = arith.addf %slice3A_21, %mul3A_22 : vector<1024x16xf32>
    %div3A = vector.broadcast %max3A_6 : vector<1024x1xf32> to vector<1024x16xf32>
    %div3A_24 = arith.divf %add3A_23, %div3A : vector<1024x16xf32>
    %swap3A = arith.constant 0 : index
    %swap3A_25 = arith.constant 0 : index
    %swap3A_26 = vector.load %arg6[%swap3A, %swap3A_25] : memref<1024x16xf32, #tpu.memory_space<vmem>>, vector<1024x16xf32>
    tpu.vector_store %arg6[%swap3A, %swap3A_25], %div3A_24 {strides = array<i32>} : memref<1024x16xf32, #tpu.memory_space<vmem>>, vector<1024x16xf32>,
    %slice3A_27 = vector.extract_strided_slice %add3A {offsets = [0, 16], sizes = [1024, 48], strides = [1, 1]} : vector<1024x128xf32> to vector<1024x48xf32>
    %mul3A_28 = vector.broadcast %slice3A : vector<1024x1xf32> to vector<1024x48xf32>
    %mul3A_29 = arith.mulf %mul3A_28, %dot_general3A_20 : vector<1024x48xf32>
    %add3A_30 = arith.addf %slice3A_27, %mul3A_29 : vector<1024x48xf32>
    %div3A_31 = vector.broadcast %max3A_6 : vector<1024x1xf32> to vector<1024x48xf32>
    %div3A_32 = arith.divf %add3A_30, %div3A_31 : vector<1024x48xf32>
    %swap3A_33 = arith.constant 0 : index
    %swap3A_34 = arith.constant 0 : index
    %swap3A_35 = vector.load %arg7[%swap3A_33, %swap3A_34] : memref<1024x48xf32, #tpu.memory_space<vmem>>, vector<1024x48xf32>
    tpu.vector_store %arg7[%swap3A_33, %swap3A_34], %div3A_32 {strides = array<i32>} : memref<1024x48xf32, #tpu.memory_space<vmem>>, vector<1024x48xf32>,
    return
  }
  func.func @transform_0(%arg0: i32) -> (i32, i32) {
    %c0_i32 = arith.constant 0 : i32
    %c0_i32_0 = arith.constant 0 : i32
    return %arg0, %c0_i32 : i32, i32
  }
  func.func @transform_1(%arg0: i32) -> (i32, i32) {
    %c0_i32 = arith.constant 0 : i32
    %c0_i32_0 = arith.constant 0 : i32
    return %arg0, %c0_i32 : i32, i32
  }
  func.func @transform_2(%arg0: i32) -> (i32, i32) {
    %c0_i32 = arith.constant 0 : i32
    %c0_i32_0 = arith.constant 0 : i32
    return %arg0, %c0_i32 : i32, i32
  }
  func.func @transform_3(%arg0: i32) -> (i32, i32) {
    %c0_i32 = arith.constant 0 : i32
    %c0_i32_0 = arith.constant 0 : i32
    %c0_i32_1 = arith.constant 0 : i32
    return %c0_i32, %c0_i32_0 : i32, i32
  }
  func.func @transform_4(%arg0: i32) -> (i32, i32) {
    %c0_i32 = arith.constant 0 : i32
    %c0_i32_0 = arith.constant 0 : i32
    %c0_i32_1 = arith.constant 0 : i32
    return %c0_i32, %c0_i32_0 : i32, i32
  }
  func.func @transform_5(%arg0: i32) -> (i32, i32) {
    %c0_i32 = arith.constant 0 : i32
    %c0_i32_0 = arith.constant 0 : i32
    return %arg0, %c0_i32 : i32, i32
  }
  func.func @transform_6(%arg0: i32) -> (i32, i32) {
    %c0_i32 = arith.constant 0 : i32
    %c0_i32_0 = arith.constant 0 : i32
    return %arg0, %c0_i32 : i32, i32
  }
}

</mosaic_0001>

<sc_bundles>
// kernel: kernel.6.cloned.1.call-start
scs
__scs_entry_jumppad:
0x0: {  	(pc) =	sbr.rel $0x88, $3  }
0x1: {  	(tag) =	ssettag $0x0;
	lr =	simm.s32 $0x1  }
0x2: {  	[smem:$0x3F6E] =	sst lr;
	_ =	strace $0xD0000000  }
0x3: {  	_ = 	snop  }
0x4: {  	_ = 	snop  }
0x5: {  	_ = 	snop  }
0x6: {  	_ = 	snop  }
0x7: {  	_ = 	snop  }
__scs_overlays_trampoline_lowered:
0x8: {  	[smem:$0x3F7D] =	sst s0  }
0x9: {  	[smem:$0x3F7E] =	sst s1  }
0xa: {  	[smem:$0x3F7F] =	sst s2  }
0xb: {  	[smem:$0x3F80] =	sst s3  }
0xc: {  	[smem:$0x3F81] =	sst s4  }
0xd: {  	[smem:$0x3F82] =	sst s5  }
0xe: {  	[smem:$0x3F83] =	sst s6  }
0xf: {  	[smem:$0x3F84] =	sst s7  }
0x10: {  	[smem:$0x3F85] =	sst s8  }
0x11: {  	[smem:$0x3F86] =	sst s9;
	s0 =	simm.s32 @!p0 $0x0  }
0x12: {  	s1 =	sld [smem:$0x3F6C];
	s0 =	simm.s32 @p0 $0x1  }
0x13: {  	[smem:$0x3F87] =	sst s0;
	s0 =	simm.s32 @!p1 $0x0  }
0x14: {  	s2 =	sld [smem:$0x3F6B];
	s0 =	simm.s32 @p1 $0x1  }
0x15: {  	[smem:$0x3F88] =	sst s0;
	s0 =	simm.s32 @!p2 $0x0  }
0x16: {  	s3 =	sld [smem:$0x3FDB];
	s0 =	simm.s32 @p2 $0x1  }
0x17: {  	s4 =	simm.s32 $0x1BF5;
	[smem:$0x3F8A] =	sst s0  }
0x18: {  	s0 =	sld [smem:$0x3F6D];
	_ =	swait.ge [sflag:s4], $0x0  }
0x19: {  	s7 =	sld [smem:$0x3F6E]  }
0x1a: {  	s8 =	sadd.s32 $0xFFFFE003, lr  }
0x1b: {  	s9 =	sadd.s32 $0xFFFFFEF7, lr;
	s5 =	simm.s32 $0xFFFFFFFF;
	p2 =	slt.u32 s8, $0xFFFFF086  }
0x1c: {  	p1 =	slt.u32 s9, $0xF7A;
	s5 =	simm.s32 @!p2 $0x0  }
0x1d: {  	s5 =	simm.s32 @p1 $0x1;
	p0 =	seq.s32 s7, s2  }
0x1e: {  	s7 =	smul.u32 @!p0 $0xF7A, s2;
	p2 =	seq.s32 @!p0 s5, $0x0  }
0x1f: {  	s9 =	smul.u32 $0xF7A, s1;
	s8 =	simm.s32 @!p0 $0x1BF5;
	p2 =	por !p2, p0  }
0x20: {  	[sflag:s8] =	ssyncset.s32 @!p0 $0xFFFFF086;
	s6 =	sadd.s32 @!p0 s3, s7;
	s7 =	simm.s32 @!p0 $0x108  }
0x21: {  	s3 =	sadd.s32 s3, s9;
	s6 =	sadd.s32 @!p0 $0x88, s6;
	s7 =	simm.s32 @p2 $0x1082  }
0x22: {  	[simem:s7], [sflag:s8] =	dma.local @!p0 [hbm:s6], $0xF7A  }
0x23: {  	s9 =	sor.u32 $0xD0000000, s2;
	s6 =	simm.s32 $0x108;
	_ =	swait.ge @!p0 [sflag:s8], $0x0  }
0x24: {  	s3 =	sadd.s32 $0x88, s3;
	s6 =	simm.s32 @!p1 $0x1082;
	[sflag:s4] =	ssyncset.s32 $0xFFFFF086  }
0x25: {  	[simem:s6], [sflag:s4] =	dma.local [hbm:s3], $0xF7A  }
0x26: {  	[smem:$0x3F6E] =	sst s1;
	(tag) =	ssettag s2;
	_ =	strace s9  }
0x27: {  	s1 =	sld [smem:$0x3F7E]  }
0x28: {  	s2 =	sld [smem:$0x3F7F]  }
0x29: {  	s4 =	sld [smem:$0x3F81]  }
0x2a: {  	p0 =	seq.s32 s5, $0x0;
	s5 =	sld [smem:$0x3F82]  }
0x2b: {  	s6 =	sld [smem:$0x3F83]  }
0x2c: {  	s7 =	sld [smem:$0x3F84]  }
0x2d: {  	s3 =	simm.s32 $0x108;
	s8 =	sld [smem:$0x3F85]  }
0x2e: {  	s3 =	simm.s32 @!p0 $0x1082;
	s9 =	sld [smem:$0x3F86]  }
0x2f: {  	lr =	sadd.s32 s0, s3;
	s0 =	sld [smem:$0x3F7D]  }
0x30: {  	s3 =	sld [smem:$0x3F80]  }
0x31: {  	[smem:$0x3F89] =	sst s10  }
0x32: {  	s10 =	sld [smem:$0x3F87];
	_ =	sdelay $0x3  }
0x33: {  	p0 =	seq.s32 s10, $0x1;
	s10 =	sld [smem:$0x3F89];
	_ =	sdelay $0x3  }
0x34: {  	[smem:$0x3F89] =	sst s10  }
0x35: {  	s10 =	sld [smem:$0x3F88];
	_ =	sdelay $0x3  }
0x36: {  	p1 =	seq.s32 s10, $0x1;
	s10 =	sld [smem:$0x3F89];
	_ =	sdelay $0x3  }
0x37: {  	[smem:$0x3F89] =	sst s10  }
0x38: {  	s10 =	sld [smem:$0x3F8A]  }
0x39: {  	_ = 	snop;
	(pc) =	sbr.ind lr, $3  }
0x3a: {  	_ = 	snop  }
0x3b: {  	_ = 	snop  }
0x3c: {  	p2 =	seq.s32 s10, $0x1;
	s10 =	sld [smem:$0x3F89]  }
0x3d: {  	_ =	shalt  }
0x3e: {  	_ =	shalt  }
0x3f: {  	_ =	shalt  }
0x40: {  	_ =	shalt  }
0x41: {  	_ =	shalt  }
0x42: {  	_ =	shalt  }
0x43: {  	_ =	shalt  }
0x44: {  	_ =	shalt  }
0x45: {  	_ =	shalt  }
0x46: {  	_ =	shalt  }
0x47: {  	_ =	shalt  }
0x48: {  	_ =	shalt  }
0x49: {  	_ =	shalt  }
0x4a: {  	_ =	shalt  }
0x4b: {  	_ =	shalt  }
0x4c: {  	_ =	shalt  }
0x4d: {  	_ =	shalt  }
0x4e: {  	_ =	shalt  }
0x4f: {  	_ =	shalt  }
0x50: {  	_ =	shalt  }
0x51: {  	_ =	shalt  }
0x52: {  	_ =	shalt  }
0x53: {  	_ =	shalt  }
0x54: {  	_ =	shalt  }
0x55: {  	_ =	shalt  }
0x56: {  	_ =	shalt  }
0x57: {  	_ =	shalt  }
0x58: {  	_ =	shalt  }
0x59: {  	_ =	shalt  }
0x5a: {  	_ =	shalt  }
0x5b: {  	_ =	shalt  }
0x5c: {  	_ =	shalt  }
0x5d: {  	_ =	shalt  }
0x5e: {  	_ =	shalt  }
0x5f: {  	_ =	shalt  }
0x60: {  	_ =	shalt  }
0x61: {  	_ =	shalt  }
0x62: {  	_ =	shalt  }
0x63: {  	_ =	shalt  }
0x64: {  	_ =	shalt  }
0x65: {  	_ =	shalt  }
0x66: {  	_ =	shalt  }
0x67: {  	_ =	shalt  }
0x68: {  	_ =	shalt  }
0x69: {  	_ =	shalt  }
0x6a: {  	_ =	shalt  }
0x6b: {  	_ =	shalt  }
0x6c: {  	_ =	shalt  }
0x6d: {  	_ =	shalt  }
0x6e: {  	_ =	shalt  }
0x6f: {  	_ =	shalt  }
0x70: {  	_ =	shalt  }
0x71: {  	_ =	shalt  }
0x72: {  	_ =	shalt  }
0x73: {  	_ =	shalt  }
0x74: {  	_ =	shalt  }
0x75: {  	_ =	shalt  }
0x76: {  	_ =	shalt  }
0x77: {  	_ =	shalt  }
0x78: {  	_ =	shalt  }
0x79: {  	_ =	shalt  }
0x7a: {  	_ =	shalt  }
0x7b: {  	_ =	shalt  }
0x7c: {  	_ =	shalt  }
0x7d: {  	_ =	shalt  }
0x7e: {  	_ =	shalt  }
0x7f: {  	_ =	shalt  }
0x80: {  	_ =	shalt  }
0x81: {  	_ =	shalt  }
0x82: {  	_ =	shalt  }
0x83: {  	_ =	shalt  }
0x84: {  	_ =	shalt  }
0x85: {  	_ =	shalt  }
0x86: {  	_ =	shalt  }
0x87: {  	_ =	shalt  }
.Lfunc_end0:
.L_simem_size_0:
called_computation_lowered:
.L_overlay_start_0:
0x88: {  	s2 =	sld [smem:$0x3FD9]  }
0x89: {  	s3 =	sld [smem:$0x3FFE];
	_ =	sdelay $0x1  }
0x8a: {  	s1 =	srdreg.scid  }
0x8b: {  	s0 =	sand.u32 $0x1, s1  }
0x8c: {  	s14 =	sshll.u32 s0, $0xA;
	s2 =	sadd.s32 s3, s2  }
0x8d: {  	s2 =	sadd.s32 s2, s14  }
0x8e: {  	[smem:$0x3F95] =	sst s2  }
0x8f: {  	_ = 	snop  }
0x90: {  	s2 =	sld [smem:$0x3FD0];
	_ =	sdelay $0x2  }
0x91: {  	s15 =	simm.s32 $0xA;
	s4 =	simm.s32 $0x10  }
0x92: {  	[smem:s4], [sflag:s15] =	dma.local [hbm:s2], $0x1  }
0x93: {  	_ =	swait.eq [sflag:s15], $0x1  }
0x94: {  	[sflag:s15] =	ssyncset.done $0x0  }
0x95: {  	[sflag:s15] =	ssyncadd.s32 $0xFFFFFFFF  }
0x96: {  	s16 =	sld [smem:$0x11];
	(tm) =	ssettm $0x1  }
0x97: {  	s17 =	sld [smem:$0x3FFB];
	_ =	sdelay $0x3  }
0x98: {  	_ =	strace s17  }
0x99: {  	s3 =	sld [smem:$0x3FFC];
	_ =	sdelay $0x3  }
0x9a: {  	_ =	strace s3  }
0x9b: {  	s3 =	sld [smem:$0x3FFD];
	_ =	sdelay $0x3  }
0x9c: {  	_ =	strace s3  }
0x9d: {  	_ =	strace $0x8FFFFFFF  }
0x9e: {  	s18 =	sld [smem:$0x3FDB];
	_ =	sdelay $0x1  }
0x9f: {  	s19 =	simm.s32 $_scs_section_size  }
0xa0: {  	s5 =	simm.s32 $_size__tile_overlayer_lowered;
	s6 =	simm.s32 $_tile_overlayer_lowered  }
0xa1: {  	s22 =	simm.s32 $0x1BFF;
	s21 =	sshll.u32 s6, $0x1;
	s3 =	sadd.s32 s19, s18  }
0xa2: {  	s7 =	simm.s32 $0x0;
	s20 =	sshll.u32 s5, $0x1;
	s5 =	sadd.s32 s21, s3  }
0xa3: {  	[timem:s7], [sflag:s22] =	dma.local [hbm:s5], s20  }
0xa4: {  	_ =	swait.ge [sflag:s22], s20  }
0xa5: {  	s4 =	ssub.s32 $0x0, s20;
	[sflag:s22] =	ssyncset.done $0x0  }
0xa6: {  	[sflag:s22] =	ssyncadd.s32 s4;
	_ =	sdelay $0x1  }
0xa7: {  	s23 =	simm.s32 $0x1B8B  }
0xa8: {  	_ =	swait.ge [sflag:s23], $0x1  }
0xa9: {  	[sflag:s23] =	ssyncset.done $0x0  }
0xaa: {  	s25 =	simm.s32 $0x1B8E;
	s24 =	sld [smem:$0x3FFE];
	[sflag:s23] =	ssyncadd.s32 $0xFFFFFFFF  }
0xab: {  	s26 =	simm.s32 $execute0_lowered;
	[smem:$0x3FD2] =	sst s25  }
0xac: {  	s5 =	sshll.u32 s26, $0x1;
	_ =	strace $0x80000046;
	[dreg:$0x1] =	wrdreg $0xFFFFFFFF  }
0xad: {  	s28 =	simm.s32 $_size_execute0_lowered;
	s3 =	sadd.s32 s3, s5;
	[dreg:$0x0] =	wrdreg $0x0  }
0xae: {  	s5 =	sshll.u32 s28, $0x1;
	[dreg:$0x2] =	wrdreg s3  }
0xaf: {  	[dreg:$0x3] =	wrdreg s5  }
0xb0: {  	[dreg:$0x4] =	wrdreg $0xC0  }
0xb1: {  	_ =	task [dreg:s7], $0x5FFFF  }
0xb2: {  	[dreg:$0x1] =	wrdreg $0xFFFFFFFF  }
0xb3: {  	[dreg:$0x0] =	wrdreg $0x60  }
0xb4: {  	[dreg:$0x2] =	wrdreg s24  }
0xb5: {  	[dreg:$0x3] =	wrdreg s16  }
0xb6: {  	[dreg:$0x4] =	wrdreg $0x9  }
0xb7: {  	_ =	task.clear_ibuf [dreg:s7], $0x5FFFF;
	_ =	strace $0x90000046  }
0xb8: {  	s29 =	simm.s32 $0x9;
	_ =	strace $0x80000048  }
0xb9: {  	_ =	swait.ge [sflag:s29], $0x1  }
0xba: {  	[sflag:s29] =	ssyncadd.s32 $0xFFFFFFFF  }
0xbb: {  	_ =	strace $0x90000048  }
0xbc: {  	_ =	sfence  }
0xbd: {  	s30 =	sld [smem:$0x0];
	_ =	sdelay $0x2  }
0xbe: {  	s31 =	sshll.u32 s1, $0xD;
	s1 =	sshrl.u32 s1, $0x2  }
0xbf: {  	s3 =	sand.u32 $0x4000, s31;
	s1 =	sadd.s32 s1, s30  }
0xc0: {  	s0 =	sor.u32 s3, s0;
	s1 =	sshll.u32 s1, $0x11  }
0xc1: {  	s0 =	sor.u32 s1, s0  }
0xc2: {  	s0 =	sadd.s32 $0x8F2B, s0  }
0xc3: {  	[sflag:s0] =	ssyncadd.remote.s32 $0x1  }
0xc4: {  	_ =	sfence.sel $0xFFFF  }
0xc5: {  	[dreg:$0x0] =	wrdreg $0xFFFFFFFF;
	(pc) =	sbr.abs _section_cstart, $3  }
0xc6: {  	[dreg:$0x1] =	wrdreg $0xFFFFFFFF  }
0xc7: {  	_ =	task.clear_ibuf [dreg:s7], $0x2FFFF;
	_ =	strace $0x9FFFFFFF  }
0xc8: {  	(tm) =	ssettm $0x7FFFFFFF  }
0xc9: {  	_ =	shalt  }
tec
execute0_lowered:
.L_overlay_start_1:
0x0: {  	(tag) =	ssettag $0x1  }
0x1: {  	s10 =	rddreg [dreg:$0x0]  }
0x2: {  	s1 =	srdreg.scid;
	s0 =	stileid.u32  }
0x3: {  	s3 =	rddreg [dreg:$0x1];
	s24 =	sand.u32 $0x1, s1;
	s4 =	sshll.u32 s0, $0x1  }
0x4: {  	s2 =	simm.s32 $0x0;
	s1 =	rddreg [dreg:$0x2];
	s11 =	sor.u32 s24, s4  }
0x5: {  	[smem:$0x7FF] =	sst s2;
	s4 =	sshll.u32 s11, $0x7  }
0x6: {  	_ =	strace $0x80000047;
	s4 =	sadd.s32 s3, s4;
	s3 =	simm.s32 $0x3  }
0x7: {  	[tilespmem:s2], [sflag:$0x3] =	stream.linear.gather [hbm4b:s4+s2], $0x400, $0x38;
	[tilespmem:$0x8400] =	vst v63  }
0x8: {  	_ =	swait.ge [sflag:s3], $0x400  }
0x9: {  	s6 =	simm.s32 $0x80;
	[sflag:s3] =	ssyncset.done $0x0  }
0xa: {  	s7 =	simm.s32 $0x400;
	s5 =	sadd.s32 $0x8000, s10;
	[sflag:s3] =	ssyncadd.s32 $0xFFFFFC00  }
0xb: {  	[tilespmem:s7], [sflag:$0x1] =	stream.indirect.gather [hbm4b:s5+s6], $0x80, s2, s6, $0xb8;
	[tilespmem:$0x8400] =	vst v63  }
0xc: {  	s8 =	simm.s32 $0x4400;
	s9 =	simm.s32 $0x1  }
0xd: {  	[tilespmem:s8], [sflag:$0x2] =	stream.indirect.gather [hbm4b:s5+s6], $0x80, s6, s6, $0xb8;
	[tilespmem:$0x8400] =	vst v63  }
0xe: {  	s11 =	sshll.u32 s11, $0xE;
	_ =	swait.ge [sflag:s9], $0x4000  }
0xf: {  	s25 =	sadd.s32 s11, s10;
	[sflag:s9] =	ssyncset.done $0x0  }
0x10: {  	s10 =	sadd.s32 $0x18000, s25;
	[sflag:s9] =	ssyncadd.s32 $0xFFFFC000  }
0x11: {  	[hbm4b:s10+s2] =	stream.linear.scatter [tilespmem:s7], [sflag:$0x3], $0x4000, $0x38;
	[tilespmem:$0x8400] =	vst v63  }
0x12: {  	_ =	swait.ge [sflag:s3], $0x4000  }
0x13: {  	[sflag:s3] =	ssyncset.done $0x0  }
0x14: {  	s12 =	simm.s32 $0x2;
	s11 =	simm.s32 $0x100;
	[sflag:s3] =	ssyncadd.s32 $0xFFFFC000  }
0x15: {  	[tilespmem:s7], [sflag:$0x1] =	stream.indirect.gather [hbm4b:s5+s6], $0x80, s11, s6, $0xb8;
	[tilespmem:$0x8400] =	vst v63  }
0x16: {  	_ =	swait.ge [sflag:s12], $0x4000  }
0x17: {  	[sflag:s12] =	ssyncset.done $0x0  }
0x18: {  	s13 =	sadd.s32 $0x18800, s25;
	[sflag:s12] =	ssyncadd.s32 $0xFFFFC000  }
0x19: {  	[hbm4b:s13+s2] =	stream.linear.scatter [tilespmem:s8], [sflag:$0x3], $0x4000, $0x38;
	[tilespmem:$0x8400] =	vst v63  }
0x1a: {  	_ =	swait.ge [sflag:s3], $0x4000  }
0x1b: {  	[sflag:s3] =	ssyncset.done $0x0  }
0x1c: {  	s14 =	simm.s32 $0x180;
	[sflag:s3] =	ssyncadd.s32 $0xFFFFC000  }
0x1d: {  	[tilespmem:s8], [sflag:$0x2] =	stream.indirect.gather [hbm4b:s5+s6], $0x80, s14, s6, $0xb8;
	[tilespmem:$0x8400] =	vst v63  }
0x1e: {  	_ =	swait.ge [sflag:s9], $0x4000  }
0x1f: {  	[sflag:s9] =	ssyncset.done $0x0  }
0x20: {  	s15 =	sadd.s32 $0x19000, s25;
	[sflag:s9] =	ssyncadd.s32 $0xFFFFC000  }
0x21: {  	[hbm4b:s15+s2] =	stream.linear.scatter [tilespmem:s7], [sflag:$0x3], $0x4000, $0x38;
	[tilespmem:$0x8400] =	vst v63  }
0x22: {  	_ =	swait.ge [sflag:s3], $0x4000  }
0x23: {  	[sflag:s3] =	ssyncset.done $0x0  }
0x24: {  	s16 =	simm.s32 $0x200;
	[sflag:s3] =	ssyncadd.s32 $0xFFFFC000  }
0x25: {  	[tilespmem:s7], [sflag:$0x1] =	stream.indirect.gather [hbm4b:s5+s6], $0x80, s16, s6, $0xb8;
	[tilespmem:$0x8400] =	vst v63  }
0x26: {  	_ =	swait.ge [sflag:s12], $0x4000  }
0x27: {  	[sflag:s12] =	ssyncset.done $0x0  }
0x28: {  	s17 =	sadd.s32 $0x19800, s25;
	[sflag:s12] =	ssyncadd.s32 $0xFFFFC000  }
0x29: {  	[hbm4b:s17+s2] =	stream.linear.scatter [tilespmem:s8], [sflag:$0x3], $0x4000, $0x38;
	[tilespmem:$0x8400] =	vst v63  }
0x2a: {  	_ =	swait.ge [sflag:s3], $0x4000  }
0x2b: {  	[sflag:s3] =	ssyncset.done $0x0  }
0x2c: {  	s18 =	simm.s32 $0x280;
	[sflag:s3] =	ssyncadd.s32 $0xFFFFC000  }
0x2d: {  	[tilespmem:s8], [sflag:$0x2] =	stream.indirect.gather [hbm4b:s5+s6], $0x80, s18, s6, $0xb8;
	[tilespmem:$0x8400] =	vst v63  }
0x2e: {  	_ =	swait.ge [sflag:s9], $0x4000  }
0x2f: {  	[sflag:s9] =	ssyncset.done $0x0  }
0x30: {  	s19 =	sadd.s32 $0x1A000, s25;
	[sflag:s9] =	ssyncadd.s32 $0xFFFFC000  }
0x31: {  	[hbm4b:s19+s2] =	stream.linear.scatter [tilespmem:s7], [sflag:$0x3], $0x4000, $0x38;
	[tilespmem:$0x8400] =	vst v63  }
0x32: {  	_ =	swait.ge [sflag:s3], $0x4000  }
0x33: {  	[sflag:s3] =	ssyncset.done $0x0  }
0x34: {  	s20 =	simm.s32 $0x300;
	[sflag:s3] =	ssyncadd.s32 $0xFFFFC000  }
0x35: {  	[tilespmem:s7], [sflag:$0x1] =	stream.indirect.gather [hbm4b:s5+s6], $0x80, s20, s6, $0xb8;
	[tilespmem:$0x8400] =	vst v63  }
0x36: {  	_ =	swait.ge [sflag:s12], $0x4000  }
0x37: {  	[sflag:s12] =	ssyncset.done $0x0  }
0x38: {  	s21 =	sadd.s32 $0x1A800, s25;
	[sflag:s12] =	ssyncadd.s32 $0xFFFFC000  }
0x39: {  	[hbm4b:s21+s2] =	stream.linear.scatter [tilespmem:s8], [sflag:$0x3], $0x4000, $0x38;
	[tilespmem:$0x8400] =	vst v63  }
0x3a: {  	_ =	swait.ge [sflag:s3], $0x4000  }
0x3b: {  	[sflag:s3] =	ssyncset.done $0x0  }
0x3c: {  	s22 =	simm.s32 $0x380;
	[sflag:s3] =	ssyncadd.s32 $0xFFFFC000  }
0x3d: {  	[tilespmem:s8], [sflag:$0x2] =	stream.indirect.gather [hbm4b:s5+s6], $0x80, s22, s6, $0xb8;
	[tilespmem:$0x8400] =	vst v63  }
0x3e: {  	_ =	swait.ge [sflag:s9], $0x4000  }
0x3f: {  	[sflag:s9] =	ssyncset.done $0x0  }
0x40: {  	s24 =	ssub.s32 $0x2, s24;
	s23 =	sadd.s32 $0x1B000, s25;
	[sflag:s9] =	ssyncadd.s32 $0xFFFFC000  }
0x41: {  	[hbm4b:s23+s2] =	stream.linear.scatter [tilespmem:s7], [sflag:$0x3], $0x4000, $0x38;
	[tilespmem:$0x8400] =	vst v63  }
0x42: {  	s26 =	sshrl.u32 s24, $0x1;
	_ =	swait.ge [sflag:s3], $0x4000  }
0x43: {  	s26 =	ssub.s32 s24, s26;
	[sflag:s3] =	ssyncset.done $0x0  }
0x44: {  	s31 =	smax.u32 s26, $0x1;
	[sflag:s3] =	ssyncadd.s32 $0xFFFFC000  }
0x45: {  	p0 =	sne.s32 s31, $0x1;
	_ =	swait.ge [sflag:s12], $0x4000  }
.Ltmp0:
0x46: {  	[sflag:s12] =	ssyncset.done $0x0;
	(pc) =	sbr.rel @!p0 .LBB2_2-.Ltmp0, $4  }
0x47: {  	s24 =	sadd.s32 $0x1B800, s25;
	[sflag:s12] =	ssyncadd.s32 $0xFFFFC000  }
0x48: {  	[hbm4b:s24+s2] =	stream.linear.scatter [tilespmem:s8], [sflag:$0x3], $0x4000, $0x38;
	[tilespmem:$0x8400] =	vst v63  }
0x49: {  	_ =	swait.ge [sflag:s3], $0x4000  }
0x4a: {  	s25 =	sadd.s32 $0xFFFFFFFF, s31;
	[sflag:s3] =	ssyncset.done $0x0  }
.LBB2_1:
0x4b: {  	p0 =	sne.s32 s25, $0x1;
	s25 =	sadd.s32 $0xFFFFFFFF, s25;
	[sflag:s3] =	ssyncadd.s32 $0xFFFFC000  }
0x4c: {  	[tilespmem:s2], [sflag:$0x3] =	stream.linear.gather [hbm4b:s4+s2], $0x400, $0x38;
	[tilespmem:$0x8400] =	vst v63  }
0x4d: {  	_ =	swait.ge [sflag:s3], $0x400  }
0x4e: {  	[sflag:s3] =	ssyncset.done $0x0  }
0x4f: {  	[sflag:s3] =	ssyncadd.s32 $0xFFFFFC00  }
0x50: {  	[tilespmem:s7], [sflag:$0x1] =	stream.indirect.gather [hbm4b:s5+s6], $0x80, s2, s6, $0xb8;
	[tilespmem:$0x8400] =	vst v63  }
0x51: {  	_ = 	snop  }
0x52: {  	[tilespmem:s8], [sflag:$0x2] =	stream.indirect.gather [hbm4b:s5+s6], $0x80, s6, s6, $0xb8;
	[tilespmem:$0x8400] =	vst v63  }
0x53: {  	_ =	swait.ge [sflag:s9], $0x4000  }
0x54: {  	[sflag:s9] =	ssyncset.done $0x0  }
0x55: {  	[sflag:s9] =	ssyncadd.s32 $0xFFFFC000  }
0x56: {  	[hbm4b:s10+s2] =	stream.linear.scatter [tilespmem:s7], [sflag:$0x3], $0x4000, $0x38;
	[tilespmem:$0x8400] =	vst v63  }
0x57: {  	_ =	swait.ge [sflag:s3], $0x4000  }
0x58: {  	[sflag:s3] =	ssyncset.done $0x0  }
0x59: {  	[sflag:s3] =	ssyncadd.s32 $0xFFFFC000  }
0x5a: {  	[tilespmem:s7], [sflag:$0x1] =	stream.indirect.gather [hbm4b:s5+s6], $0x80, s11, s6, $0xb8;
	[tilespmem:$0x8400] =	vst v63  }
0x5b: {  	_ =	swait.ge [sflag:s12], $0x4000  }
0x5c: {  	[sflag:s12] =	ssyncset.done $0x0  }
0x5d: {  	[sflag:s12] =	ssyncadd.s32 $0xFFFFC000  }
0x5e: {  	[hbm4b:s13+s2] =	stream.linear.scatter [tilespmem:s8], [sflag:$0x3], $0x4000, $0x38;
	[tilespmem:$0x8400] =	vst v63  }
0x5f: {  	_ =	swait.ge [sflag:s3], $0x4000  }
0x60: {  	[sflag:s3] =	ssyncset.done $0x0  }
0x61: {  	[sflag:s3] =	ssyncadd.s32 $0xFFFFC000  }
0x62: {  	[tilespmem:s8], [sflag:$0x2] =	stream.indirect.gather [hbm4b:s5+s6], $0x80, s14, s6, $0xb8;
	[tilespmem:$0x8400] =	vst v63  }
0x63: {  	_ =	swait.ge [sflag:s9], $0x4000  }
0x64: {  	[sflag:s9] =	ssyncset.done $0x0  }
0x65: {  	[sflag:s9] =	ssyncadd.s32 $0xFFFFC000  }
0x66: {  	[hbm4b:s15+s2] =	stream.linear.scatter [tilespmem:s7], [sflag:$0x3], $0x4000, $0x38;
	[tilespmem:$0x8400] =	vst v63  }
0x67: {  	_ =	swait.ge [sflag:s3], $0x4000  }
0x68: {  	[sflag:s3] =	ssyncset.done $0x0  }
0x69: {  	[sflag:s3] =	ssyncadd.s32 $0xFFFFC000  }
0x6a: {  	[tilespmem:s7], [sflag:$0x1] =	stream.indirect.gather [hbm4b:s5+s6], $0x80, s16, s6, $0xb8;
	[tilespmem:$0x8400] =	vst v63  }
0x6b: {  	_ =	swait.ge [sflag:s12], $0x4000  }
0x6c: {  	[sflag:s12] =	ssyncset.done $0x0  }
0x6d: {  	[sflag:s12] =	ssyncadd.s32 $0xFFFFC000  }
0x6e: {  	[hbm4b:s17+s2] =	stream.linear.scatter [tilespmem:s8], [sflag:$0x3], $0x4000, $0x38;
	[tilespmem:$0x8400] =	vst v63  }
0x6f: {  	_ =	swait.ge [sflag:s3], $0x4000  }
0x70: {  	[sflag:s3] =	ssyncset.done $0x0  }
0x71: {  	[sflag:s3] =	ssyncadd.s32 $0xFFFFC000  }
0x72: {  	[tilespmem:s8], [sflag:$0x2] =	stream.indirect.gather [hbm4b:s5+s6], $0x80, s18, s6, $0xb8;
	[tilespmem:$0x8400] =	vst v63  }
0x73: {  	_ =	swait.ge [sflag:s9], $0x4000  }
0x74: {  	[sflag:s9] =	ssyncset.done $0x0  }
0x75: {  	[sflag:s9] =	ssyncadd.s32 $0xFFFFC000  }
0x76: {  	[hbm4b:s19+s2] =	stream.linear.scatter [tilespmem:s7], [sflag:$0x3], $0x4000, $0x38;
	[tilespmem:$0x8400] =	vst v63  }
0x77: {  	_ =	swait.ge [sflag:s3], $0x4000  }
0x78: {  	[sflag:s3] =	ssyncset.done $0x0  }
0x79: {  	[sflag:s3] =	ssyncadd.s32 $0xFFFFC000  }
0x7a: {  	[tilespmem:s7], [sflag:$0x1] =	stream.indirect.gather [hbm4b:s5+s6], $0x80, s20, s6, $0xb8;
	[tilespmem:$0x8400] =	vst v63  }
0x7b: {  	_ =	swait.ge [sflag:s12], $0x4000  }
0x7c: {  	[sflag:s12] =	ssyncset.done $0x0  }
0x7d: {  	[sflag:s12] =	ssyncadd.s32 $0xFFFFC000  }
0x7e: {  	[hbm4b:s21+s2] =	stream.linear.scatter [tilespmem:s8], [sflag:$0x3], $0x4000, $0x38;
	[tilespmem:$0x8400] =	vst v63  }
0x7f: {  	_ =	swait.ge [sflag:s3], $0x4000  }
0x80: {  	[sflag:s3] =	ssyncset.done $0x0  }
0x81: {  	[sflag:s3] =	ssyncadd.s32 $0xFFFFC000  }
0x82: {  	[tilespmem:s8], [sflag:$0x2] =	stream.indirect.gather [hbm4b:s5+s6], $0x80, s22, s6, $0xb8;
	[tilespmem:$0x8400] =	vst v63  }
0x83: {  	_ =	swait.ge [sflag:s9], $0x4000  }
0x84: {  	[sflag:s9] =	ssyncset.done $0x0  }
0x85: {  	[sflag:s9] =	ssyncadd.s32 $0xFFFFC000  }
0x86: {  	[hbm4b:s23+s2] =	stream.linear.scatter [tilespmem:s7], [sflag:$0x3], $0x4000, $0x38;
	[tilespmem:$0x8400] =	vst v63  }
0x87: {  	_ =	swait.ge [sflag:s3], $0x4000  }
0x88: {  	[sflag:s3] =	ssyncset.done $0x0  }
0x89: {  	[sflag:s3] =	ssyncadd.s32 $0xFFFFC000  }
0x8a: {  	_ =	swait.ge [sflag:s12], $0x4000  }
.Ltmp1:
0x8b: {  	[sflag:s12] =	ssyncset.done $0x0;
	(pc) =	sbr.rel @p0 .LBB2_1-.Ltmp1, $4  }
0x8c: {  	[sflag:s12] =	ssyncadd.s32 $0xFFFFC000  }
0x8d: {  	[hbm4b:s24+s2] =	stream.linear.scatter [tilespmem:s8], [sflag:$0x3], $0x4000, $0x38;
	[tilespmem:$0x8400] =	vst v63  }
0x8e: {  	_ =	swait.ge [sflag:s3], $0x4000  }
0x8f: {  	[sflag:s3] =	ssyncset.done $0x0  }
.LBB2_2:
0x90: {  	[sflag:s3] =	ssyncadd.s32 $0xFFFFC000  }
0x91: {  	_ =	sfence.sel $0x180000  }
0x92: {  	[bflag:$0x0] =	sbarrier.arrive $0xFFFF  }
0x93: {  	p0 =	sne.s32 s0, $0x0;
	_ =	strace $0x90000047  }
0x94: {  	s0 =	sadd.s32 @!p0 $0x100000, s1;
	[bflag:$0x2] =	sbarrier.arrive $0xFFFF  }
0x95: {  	[sflag:s0] =	ssyncadd.tile.s32 @!p0 $0x1;
	_ =	shalt  }
.Lfunc_end2:
_tile_overlayer_lowered:
.L_overlay_start_2:
0x96: {  	(tag) =	ssettag $0x2  }
0x97: {  	s0 =	rddreg [dreg:$0x0];
	s2 =	stileid.u32  }
0x98: {  	s1 =	rddreg [dreg:$0x1];
	p0 =	sne.s32 s2, $0x0  }
0x99: {  	s3 =	rddreg [dreg:$0x2];
	[bflag:$0x3] =	sbarrier.arrive $0xFFFF;
	s2 =	simm.s32 @!p0 $0x1C03  }
0x9a: {  	[timem:s3], [sflag:s2] =	dma.local @!p0 [hbm:s0], s1  }
0x9b: {  	s0 =	simm.s32 @!p0 $0x3  }
0x9c: {  	_ =	swait.ge @!p0 [sflag:s0], s1  }
0x9d: {  	s1 =	ssub.s32 @!p0 $0x0, s1;
	[sflag:s0] =	ssyncset.done @!p0 $0x0  }
0x9e: {  	[sflag:s0] =	ssyncadd.s32 @!p0 s1  }
0x9f: {  	[bflag:$0x3] =	sbarrier.arrive $0xFFFF  }
0xa0: {  	_ =	shalt  }

// kernel: kernel.9.cloned.1.call-start
scs
__scs_entry_jumppad:
0x0: {  	(pc) =	sbr.rel $0x88, $3  }
0x1: {  	(tag) =	ssettag $0x0;
	lr =	simm.s32 $0x1  }
0x2: {  	[smem:$0x3F6E] =	sst lr;
	_ =	strace $0xD0000000  }
0x3: {  	_ = 	snop  }
0x4: {  	_ = 	snop  }
0x5: {  	_ = 	snop  }
0x6: {  	_ = 	snop  }
0x7: {  	_ = 	snop  }
__scs_overlays_trampoline_lowered:
0x8: {  	[smem:$0x3F7D] =	sst s0  }
0x9: {  	[smem:$0x3F7E] =	sst s1  }
0xa: {  	[smem:$0x3F7F] =	sst s2  }
0xb: {  	[smem:$0x3F80] =	sst s3  }
0xc: {  	[smem:$0x3F81] =	sst s4  }
0xd: {  	[smem:$0x3F82] =	sst s5  }
0xe: {  	[smem:$0x3F83] =	sst s6  }
0xf: {  	[smem:$0x3F84] =	sst s7  }
0x10: {  	[smem:$0x3F85] =	sst s8  }
0x11: {  	[smem:$0x3F86] =	sst s9;
	s0 =	simm.s32 @!p0 $0x0  }
0x12: {  	s1 =	sld [smem:$0x3F6C];
	s0 =	simm.s32 @p0 $0x1  }
0x13: {  	[smem:$0x3F87] =	sst s0;
	s0 =	simm.s32 @!p1 $0x0  }
0x14: {  	s2 =	sld [smem:$0x3F6B];
	s0 =	simm.s32 @p1 $0x1  }
0x15: {  	[smem:$0x3F88] =	sst s0;
	s0 =	simm.s32 @!p2 $0x0  }
0x16: {  	s3 =	sld [smem:$0x3FDB];
	s0 =	simm.s32 @p2 $0x1  }
0x17: {  	s4 =	simm.s32 $0x1BF5;
	[smem:$0x3F8A] =	sst s0  }
0x18: {  	s0 =	sld [smem:$0x3F6D];
	_ =	swait.ge [sflag:s4], $0x0  }
0x19: {  	s7 =	sld [smem:$0x3F6E]  }
0x1a: {  	s8 =	sadd.s32 $0xFFFFE003, lr  }
0x1b: {  	s9 =	sadd.s32 $0xFFFFFEF7, lr;
	s5 =	simm.s32 $0xFFFFFFFF;
	p2 =	slt.u32 s8, $0xFFFFF086  }
0x1c: {  	p1 =	slt.u32 s9, $0xF7A;
	s5 =	simm.s32 @!p2 $0x0  }
0x1d: {  	s5 =	simm.s32 @p1 $0x1;
	p0 =	seq.s32 s7, s2  }
0x1e: {  	s7 =	smul.u32 @!p0 $0xF7A, s2;
	p2 =	seq.s32 @!p0 s5, $0x0  }
0x1f: {  	s9 =	smul.u32 $0xF7A, s1;
	s8 =	simm.s32 @!p0 $0x1BF5;
	p2 =	por !p2, p0  }
0x20: {  	[sflag:s8] =	ssyncset.s32 @!p0 $0xFFFFF086;
	s6 =	sadd.s32 @!p0 s3, s7;
	s7 =	simm.s32 @!p0 $0x108  }
0x21: {  	s3 =	sadd.s32 s3, s9;
	s6 =	sadd.s32 @!p0 $0x88, s6;
	s7 =	simm.s32 @p2 $0x1082  }
0x22: {  	[simem:s7], [sflag:s8] =	dma.local @!p0 [hbm:s6], $0xF7A  }
0x23: {  	s9 =	sor.u32 $0xD0000000, s2;
	s6 =	simm.s32 $0x108;
	_ =	swait.ge @!p0 [sflag:s8], $0x0  }
0x24: {  	s3 =	sadd.s32 $0x88, s3;
	s6 =	simm.s32 @!p1 $0x1082;
	[sflag:s4] =	ssyncset.s32 $0xFFFFF086  }
0x25: {  	[simem:s6], [sflag:s4] =	dma.local [hbm:s3], $0xF7A  }
0x26: {  	[smem:$0x3F6E] =	sst s1;
	(tag) =	ssettag s2;
	_ =	strace s9  }
0x27: {  	s1 =	sld [smem:$0x3F7E]  }
0x28: {  	s2 =	sld [smem:$0x3F7F]  }
0x29: {  	s4 =	sld [smem:$0x3F81]  }
0x2a: {  	p0 =	seq.s32 s5, $0x0;
	s5 =	sld [smem:$0x3F82]  }
0x2b: {  	s6 =	sld [smem:$0x3F83]  }
0x2c: {  	s7 =	sld [smem:$0x3F84]  }
0x2d: {  	s3 =	simm.s32 $0x108;
	s8 =	sld [smem:$0x3F85]  }
0x2e: {  	s3 =	simm.s32 @!p0 $0x1082;
	s9 =	sld [smem:$0x3F86]  }
0x2f: {  	lr =	sadd.s32 s0, s3;
	s0 =	sld [smem:$0x3F7D]  }
0x30: {  	s3 =	sld [smem:$0x3F80]  }
0x31: {  	[smem:$0x3F89] =	sst s10  }
0x32: {  	s10 =	sld [smem:$0x3F87];
	_ =	sdelay $0x3  }
0x33: {  	p0 =	seq.s32 s10, $0x1;
	s10 =	sld [smem:$0x3F89];
	_ =	sdelay $0x3  }
0x34: {  	[smem:$0x3F89] =	sst s10  }
0x35: {  	s10 =	sld [smem:$0x3F88];
	_ =	sdelay $0x3  }
0x36: {  	p1 =	seq.s32 s10, $0x1;
	s10 =	sld [smem:$0x3F89];
	_ =	sdelay $0x3  }
0x37: {  	[smem:$0x3F89] =	sst s10  }
0x38: {  	s10 =	sld [smem:$0x3F8A]  }
0x39: {  	_ = 	snop;
	(pc) =	sbr.ind lr, $3  }
0x3a: {  	_ = 	snop  }
0x3b: {  	_ = 	snop  }
0x3c: {  	p2 =	seq.s32 s10, $0x1;
	s10 =	sld [smem:$0x3F89]  }
0x3d: {  	_ =	shalt  }
0x3e: {  	_ =	shalt  }
0x3f: {  	_ =	shalt  }
0x40: {  	_ =	shalt  }
0x41: {  	_ =	shalt  }
0x42: {  	_ =	shalt  }
0x43: {  	_ =	shalt  }
0x44: {  	_ =	shalt  }
0x45: {  	_ =	shalt  }
0x46: {  	_ =	shalt  }
0x47: {  	_ =	shalt  }
0x48: {  	_ =	shalt  }
0x49: {  	_ =	shalt  }
0x4a: {  	_ =	shalt  }
0x4b: {  	_ =	shalt  }
0x4c: {  	_ =	shalt  }
0x4d: {  	_ =	shalt  }
0x4e: {  	_ =	shalt  }
0x4f: {  	_ =	shalt  }
0x50: {  	_ =	shalt  }
0x51: {  	_ =	shalt  }
0x52: {  	_ =	shalt  }
0x53: {  	_ =	shalt  }
0x54: {  	_ =	shalt  }
0x55: {  	_ =	shalt  }
0x56: {  	_ =	shalt  }
0x57: {  	_ =	shalt  }
0x58: {  	_ =	shalt  }
0x59: {  	_ =	shalt  }
0x5a: {  	_ =	shalt  }
0x5b: {  	_ =	shalt  }
0x5c: {  	_ =	shalt  }
0x5d: {  	_ =	shalt  }
0x5e: {  	_ =	shalt  }
0x5f: {  	_ =	shalt  }
0x60: {  	_ =	shalt  }
0x61: {  	_ =	shalt  }
0x62: {  	_ =	shalt  }
0x63: {  	_ =	shalt  }
0x64: {  	_ =	shalt  }
0x65: {  	_ =	shalt  }
0x66: {  	_ =	shalt  }
0x67: {  	_ =	shalt  }
0x68: {  	_ =	shalt  }
0x69: {  	_ =	shalt  }
0x6a: {  	_ =	shalt  }
0x6b: {  	_ =	shalt  }
0x6c: {  	_ =	shalt  }
0x6d: {  	_ =	shalt  }
0x6e: {  	_ =	shalt  }
0x6f: {  	_ =	shalt  }
0x70: {  	_ =	shalt  }
0x71: {  	_ =	shalt  }
0x72: {  	_ =	shalt  }
0x73: {  	_ =	shalt  }
0x74: {  	_ =	shalt  }
0x75: {  	_ =	shalt  }
0x76: {  	_ =	shalt  }
0x77: {  	_ =	shalt  }
0x78: {  	_ =	shalt  }
0x79: {  	_ =	shalt  }
0x7a: {  	_ =	shalt  }
0x7b: {  	_ =	shalt  }
0x7c: {  	_ =	shalt  }
0x7d: {  	_ =	shalt  }
0x7e: {  	_ =	shalt  }
0x7f: {  	_ =	shalt  }
0x80: {  	_ =	shalt  }
0x81: {  	_ =	shalt  }
0x82: {  	_ =	shalt  }
0x83: {  	_ =	shalt  }
0x84: {  	_ =	shalt  }
0x85: {  	_ =	shalt  }
0x86: {  	_ =	shalt  }
0x87: {  	_ =	shalt  }
.Lfunc_end0:
.L_simem_size_0:
called_computation.1_lowered:
.L_overlay_start_0:
0x88: {  	s2 =	sld [smem:$0x3FD9]  }
0x89: {  	s3 =	sld [smem:$0x3FFE];
	_ =	sdelay $0x1  }
0x8a: {  	s1 =	srdreg.scid  }
0x8b: {  	s0 =	sand.u32 $0x1, s1  }
0x8c: {  	s14 =	sshll.u32 s0, $0xA;
	s2 =	sadd.s32 s3, s2  }
0x8d: {  	s2 =	sadd.s32 s2, s14  }
0x8e: {  	[smem:$0x3F95] =	sst s2  }
0x8f: {  	_ = 	snop  }
0x90: {  	s2 =	sld [smem:$0x3FD0];
	_ =	sdelay $0x2  }
0x91: {  	s15 =	simm.s32 $0xA;
	s4 =	simm.s32 $0x10  }
0x92: {  	[smem:s4], [sflag:s15] =	dma.local [hbm:s2], $0x1  }
0x93: {  	_ =	swait.eq [sflag:s15], $0x1  }
0x94: {  	[sflag:s15] =	ssyncset.done $0x0  }
0x95: {  	[sflag:s15] =	ssyncadd.s32 $0xFFFFFFFF  }
0x96: {  	s16 =	sld [smem:$0x10];
	(tm) =	ssettm $0x1  }
0x97: {  	s17 =	sld [smem:$0x3FFB];
	_ =	sdelay $0x3  }
0x98: {  	_ =	strace s17  }
0x99: {  	s3 =	sld [smem:$0x3FFC];
	_ =	sdelay $0x3  }
0x9a: {  	_ =	strace s3  }
0x9b: {  	s3 =	sld [smem:$0x3FFD];
	_ =	sdelay $0x3  }
0x9c: {  	_ =	strace s3  }
0x9d: {  	_ =	strace $0x8FFFFFFF  }
0x9e: {  	s18 =	sld [smem:$0x3FDB];
	_ =	sdelay $0x1  }
0x9f: {  	s19 =	simm.s32 $_scs_section_size  }
0xa0: {  	s5 =	simm.s32 $_size__tile_overlayer_lowered;
	s6 =	simm.s32 $_tile_overlayer_lowered  }
0xa1: {  	s22 =	simm.s32 $0x1BFF;
	s21 =	sshll.u32 s6, $0x1;
	s3 =	sadd.s32 s19, s18  }
0xa2: {  	s7 =	simm.s32 $0x0;
	s20 =	sshll.u32 s5, $0x1;
	s5 =	sadd.s32 s21, s3  }
0xa3: {  	[timem:s7], [sflag:s22] =	dma.local [hbm:s5], s20  }
0xa4: {  	_ =	swait.ge [sflag:s22], s20  }
0xa5: {  	s4 =	ssub.s32 $0x0, s20;
	[sflag:s22] =	ssyncset.done $0x0  }
0xa6: {  	[sflag:s22] =	ssyncadd.s32 s4;
	_ =	sdelay $0x1  }
0xa7: {  	s23 =	simm.s32 $0x1B8B  }
0xa8: {  	_ =	swait.ge [sflag:s23], $0x1  }
0xa9: {  	[sflag:s23] =	ssyncset.done $0x0  }
0xaa: {  	s25 =	simm.s32 $0x1B8E;
	s24 =	sld [smem:$0x3FFE];
	[sflag:s23] =	ssyncadd.s32 $0xFFFFFFFF  }
0xab: {  	s26 =	simm.s32 $execute0_lowered;
	[smem:$0x3FD2] =	sst s25  }
0xac: {  	s5 =	sshll.u32 s26, $0x1;
	_ =	strace $0x80000049;
	[dreg:$0x1] =	wrdreg $0xFFFFFFFF  }
0xad: {  	s28 =	simm.s32 $_size_execute0_lowered;
	s3 =	sadd.s32 s3, s5;
	[dreg:$0x0] =	wrdreg $0x0  }
0xae: {  	s5 =	sshll.u32 s28, $0x1;
	[dreg:$0x2] =	wrdreg s3  }
0xaf: {  	[dreg:$0x3] =	wrdreg s5  }
0xb0: {  	[dreg:$0x4] =	wrdreg $0xC0  }
0xb1: {  	_ =	task [dreg:s7], $0x5FFFF  }
0xb2: {  	[dreg:$0x1] =	wrdreg $0xFFFFFFFF  }
0xb3: {  	[dreg:$0x0] =	wrdreg $0x60  }
0xb4: {  	[dreg:$0x2] =	wrdreg s24  }
0xb5: {  	[dreg:$0x3] =	wrdreg s16  }
0xb6: {  	[dreg:$0x4] =	wrdreg $0x84000  }
0xb7: {  	[dreg:$0x5] =	wrdreg $0x9  }
0xb8: {  	_ =	task.clear_ibuf [dreg:s7], $0x6FFFF;
	_ =	strace $0x90000049  }
0xb9: {  	s29 =	simm.s32 $0x9;
	_ =	strace $0x8000004B  }
0xba: {  	_ =	swait.ge [sflag:s29], $0x1  }
0xbb: {  	[sflag:s29] =	ssyncadd.s32 $0xFFFFFFFF  }
0xbc: {  	_ =	strace $0x9000004B  }
0xbd: {  	_ =	sfence  }
0xbe: {  	s30 =	sld [smem:$0x0];
	_ =	sdelay $0x2  }
0xbf: {  	s31 =	sshll.u32 s1, $0xD;
	s1 =	sshrl.u32 s1, $0x2  }
0xc0: {  	s3 =	sand.u32 $0x4000, s31;
	s1 =	sadd.s32 s1, s30  }
0xc1: {  	s0 =	sor.u32 s3, s0;
	s1 =	sshll.u32 s1, $0x11  }
0xc2: {  	s0 =	sor.u32 s1, s0  }
0xc3: {  	s0 =	sadd.s32 $0x8F2B, s0  }
0xc4: {  	[sflag:s0] =	ssyncadd.remote.s32 $0x1  }
0xc5: {  	_ =	sfence.sel $0xFFFF  }
0xc6: {  	[dreg:$0x0] =	wrdreg $0xFFFFFFFF;
	(pc) =	sbr.abs _section_cstart, $3  }
0xc7: {  	[dreg:$0x1] =	wrdreg $0xFFFFFFFF  }
0xc8: {  	_ =	task.clear_ibuf [dreg:s7], $0x2FFFF;
	_ =	strace $0x9FFFFFFF  }
0xc9: {  	(tm) =	ssettm $0x7FFFFFFF  }
tec
execute0_lowered:
.L_overlay_start_1:
0x0: {  	(tag) =	ssettag $0x1  }
0x1: {  	s9 =	rddreg [dreg:$0x0]  }
0x2: {  	s8 =	rddreg [dreg:$0x1]  }
0x3: {  	s2 =	rddreg [dreg:$0x2];
	s3 =	simm.s32 $0x0;
	s1 =	stileid.u32  }
0x4: {  	s10 =	srdreg.scid;
	[smem:$0x7FF] =	sst s3;
	s4 =	sshll.u32 s1, $0xC  }
0x5: {  	s26 =	sshll.u32 s1, $0xF;
	s5 =	sshll.u32 s1, $0x6;
	_ =	strace $0x8000004A  }
0x6: {  	s29 =	sadd.s32 s4, s9;
	s6 =	sadd.s32 s26, s2;
	s5 =	sor.u32 $0x1C03, s5  }
0x7: {  	s4 =	sadd.s32 $0x88000, s29;
	s7 =	sshrl.u32 s6, $0x3;
	s6 =	simm.s32 $0x3  }
0x8: {  	[spmem:s7], [sflag:s5] =	dma.local [hbm:s4], $0x1000  }
0x9: {  	s30 =	sand.u32 $0x1, s10;
	s31 =	sshll.u32 s1, $0x1;
	_ =	swait.ge [sflag:s6], $0x1000  }
0xa: {  	s10 =	sor.u32 s30, s31;
	[sflag:s6] =	ssyncset.done $0x0  }
0xb: {  	s11 =	sshll.u32 s10, $0x7;
	[sflag:s6] =	ssyncadd.s32 $0xFFFFF000  }
0xc: {  	s8 =	sadd.s32 s8, s11;
	[bflag:$0x0] =	sbarrier.arrive $0xFFFF  }
0xd: {  	[tilespmem:s3], [sflag:$0x3] =	stream.linear.gather [hbm4b:s8+s3], $0x400, $0x38;
	[tilespmem:$0x10400] =	vst v63  }
0xe: {  	s10 =	sshll.u32 s10, $0xE;
	_ =	swait.ge [sflag:s6], $0x400  }
0xf: {  	s25 =	sadd.s32 s10, s9;
	[sflag:s6] =	ssyncset.done $0x0  }
0x10: {  	s10 =	simm.s32 $0x400;
	s9 =	sadd.s32 $0x8000, s25;
	[sflag:s6] =	ssyncadd.s32 $0xFFFFFC00  }
0x11: {  	[tilespmem:s10], [sflag:$0x1] =	stream.linear.gather [hbm4b:s9+s3], $0x4000, $0x38;
	[tilespmem:$0x10400] =	vst v63  }
0x12: {  	s12 =	simm.s32 $0x4400;
	s13 =	simm.s32 $0x1;
	s11 =	sadd.s32 $0x8800, s25  }
0x13: {  	[tilespmem:s12], [sflag:$0x2] =	stream.linear.gather [hbm4b:s11+s3], $0x4000, $0x38;
	[tilespmem:$0x10400] =	vst v63  }
0x14: {  	_ =	swait.ge [sflag:s13], $0x4000  }
0x15: {  	[sflag:s13] =	ssyncset.done $0x0  }
0x16: {  	s14 =	simm.s32 $0x80;
	[sflag:s13] =	ssyncadd.s32 $0xFFFFC000  }
0x17: {  	[spmem:s2] =	stream.indirect.scatter.add.f32 [tilespmem:s10], [sflag:$0x3], $0x80, s3, s14, $0xb8;
	[tilespmem:$0x10400] =	vst v63  }
0x18: {  	_ =	swait.ge [sflag:s6], $0x4000  }
0x19: {  	[sflag:s6] =	ssyncset.done $0x0  }
0x1a: {  	s16 =	simm.s32 $0x2;
	s15 =	sadd.s32 $0x9000, s25;
	[sflag:s6] =	ssyncadd.s32 $0xFFFFC000  }
0x1b: {  	[tilespmem:s10], [sflag:$0x1] =	stream.linear.gather [hbm4b:s15+s3], $0x4000, $0x38;
	[tilespmem:$0x10400] =	vst v63  }
0x1c: {  	_ =	swait.ge [sflag:s16], $0x4000  }
0x1d: {  	[sflag:s16] =	ssyncset.done $0x0  }
0x1e: {  	[sflag:s16] =	ssyncadd.s32 $0xFFFFC000  }
0x1f: {  	[spmem:s2] =	stream.indirect.scatter.add.f32 [tilespmem:s12], [sflag:$0x3], $0x80, s14, s14, $0xb8;
	[tilespmem:$0x10400] =	vst v63  }
0x20: {  	_ =	swait.ge [sflag:s6], $0x4000  }
0x21: {  	[sflag:s6] =	ssyncset.done $0x0  }
0x22: {  	s17 =	sadd.s32 $0x9800, s25;
	[sflag:s6] =	ssyncadd.s32 $0xFFFFC000  }
0x23: {  	[tilespmem:s12], [sflag:$0x2] =	stream.linear.gather [hbm4b:s17+s3], $0x4000, $0x38;
	[tilespmem:$0x10400] =	vst v63  }
0x24: {  	_ =	swait.ge [sflag:s13], $0x4000  }
0x25: {  	[sflag:s13] =	ssyncset.done $0x0  }
0x26: {  	s18 =	simm.s32 $0x100;
	[sflag:s13] =	ssyncadd.s32 $0xFFFFC000  }
0x27: {  	[spmem:s2] =	stream.indirect.scatter.add.f32 [tilespmem:s10], [sflag:$0x3], $0x80, s18, s14, $0xb8;
	[tilespmem:$0x10400] =	vst v63  }
0x28: {  	_ =	swait.ge [sflag:s6], $0x4000  }
0x29: {  	[sflag:s6] =	ssyncset.done $0x0  }
0x2a: {  	s19 =	sadd.s32 $0xA000, s25;
	[sflag:s6] =	ssyncadd.s32 $0xFFFFC000  }
0x2b: {  	[tilespmem:s10], [sflag:$0x1] =	stream.linear.gather [hbm4b:s19+s3], $0x4000, $0x38;
	[tilespmem:$0x10400] =	vst v63  }
0x2c: {  	_ =	swait.ge [sflag:s16], $0x4000  }
0x2d: {  	[sflag:s16] =	ssyncset.done $0x0  }
0x2e: {  	s20 =	simm.s32 $0x180;
	[sflag:s16] =	ssyncadd.s32 $0xFFFFC000  }
0x2f: {  	[spmem:s2] =	stream.indirect.scatter.add.f32 [tilespmem:s12], [sflag:$0x3], $0x80, s20, s14, $0xb8;
	[tilespmem:$0x10400] =	vst v63  }
0x30: {  	_ =	swait.ge [sflag:s6], $0x4000  }
0x31: {  	[sflag:s6] =	ssyncset.done $0x0  }
0x32: {  	s21 =	sadd.s32 $0xA800, s25;
	[sflag:s6] =	ssyncadd.s32 $0xFFFFC000  }
0x33: {  	[tilespmem:s12], [sflag:$0x2] =	stream.linear.gather [hbm4b:s21+s3], $0x4000, $0x38;
	[tilespmem:$0x10400] =	vst v63  }
0x34: {  	_ =	swait.ge [sflag:s13], $0x4000  }
0x35: {  	[sflag:s13] =	ssyncset.done $0x0  }
0x36: {  	s22 =	simm.s32 $0x200;
	[sflag:s13] =	ssyncadd.s32 $0xFFFFC000  }
0x37: {  	[spmem:s2] =	stream.indirect.scatter.add.f32 [tilespmem:s10], [sflag:$0x3], $0x80, s22, s14, $0xb8;
	[tilespmem:$0x10400] =	vst v63  }
0x38: {  	_ =	swait.ge [sflag:s6], $0x4000  }
0x39: {  	[sflag:s6] =	ssyncset.done $0x0  }
0x3a: {  	s23 =	sadd.s32 $0xB000, s25;
	[sflag:s6] =	ssyncadd.s32 $0xFFFFC000  }
0x3b: {  	[tilespmem:s10], [sflag:$0x1] =	stream.linear.gather [hbm4b:s23+s3], $0x4000, $0x38;
	[tilespmem:$0x10400] =	vst v63  }
0x3c: {  	_ =	swait.ge [sflag:s16], $0x4000  }
0x3d: {  	[sflag:s16] =	ssyncset.done $0x0  }
0x3e: {  	s24 =	simm.s32 $0x280;
	[sflag:s16] =	ssyncadd.s32 $0xFFFFC000  }
0x3f: {  	[spmem:s2] =	stream.indirect.scatter.add.f32 [tilespmem:s12], [sflag:$0x3], $0x80, s24, s14, $0xb8;
	[tilespmem:$0x10400] =	vst v63  }
0x40: {  	_ =	swait.ge [sflag:s6], $0x4000  }
0x41: {  	[sflag:s6] =	ssyncset.done $0x0  }
0x42: {  	s25 =	sadd.s32 $0xB800, s25;
	[sflag:s6] =	ssyncadd.s32 $0xFFFFC000  }
0x43: {  	[tilespmem:s12], [sflag:$0x2] =	stream.linear.gather [hbm4b:s25+s3], $0x4000, $0x38;
	[tilespmem:$0x10400] =	vst v63  }
0x44: {  	_ =	swait.ge [sflag:s13], $0x4000  }
0x45: {  	[sflag:s13] =	ssyncset.done $0x0  }
0x46: {  	s26 =	simm.s32 $0x300;
	[sflag:s13] =	ssyncadd.s32 $0xFFFFC000  }
0x47: {  	[spmem:s2] =	stream.indirect.scatter.add.f32 [tilespmem:s10], [sflag:$0x3], $0x80, s26, s14, $0xb8;
	[tilespmem:$0x10400] =	vst v63  }
0x48: {  	_ =	swait.ge [sflag:s6], $0x4000  }
0x49: {  	[sflag:s6] =	ssyncset.done $0x0  }
0x4a: {  	[sflag:s6] =	ssyncadd.s32 $0xFFFFC000  }
0x4b: {  	s31 =	ssub.s32 $0x2, s30;
	_ =	swait.ge [sflag:s16], $0x4000  }
0x4c: {  	s0 =	sshrl.u32 s31, $0x1;
	[sflag:s16] =	ssyncset.done $0x0  }
0x4d: {  	s28 =	simm.s32 $0x380;
	s0 =	ssub.s32 s31, s0;
	[sflag:s16] =	ssyncadd.s32 $0xFFFFC000  }
0x4e: {  	[spmem:s2] =	stream.indirect.scatter.add.f32 [tilespmem:s12], [sflag:$0x3], $0x80, s28, s14, $0xb8;
	[tilespmem:$0x10400] =	vst v63  }
0x4f: {  	s0 =	smax.u32 s0, $0x1;
	_ =	swait.ge [sflag:s6], $0x4000  }
0x50: {  	s30 =	sshll.u32 s30, $0x10;
	p0 =	sne.s32 s0, $0x1;
	[sflag:s6] =	ssyncset.done $0x0  }
.Ltmp0:
0x51: {  	s29 =	sadd.s32 s30, s29;
	[sflag:s6] =	ssyncadd.s32 $0xFFFFC000;
	(pc) =	sbr.rel @!p0 .LBB2_2-.Ltmp0, $4  }
0x52: {  	s29 =	sadd.s32 $0x98000, s29;
	[bflag:$0x0] =	sbarrier.arrive $0xFFFF  }
0x53: {  	[hbm:s29], [sflag:s5] =	dma.local [spmem:s7], $0x1000  }
0x54: {  	_ =	swait.ge [sflag:s6], $0x1000  }
0x55: {  	s30 =	sadd.s32 $0xFFFFFFFF, s0;
	[sflag:s6] =	ssyncset.done $0x0  }
.LBB2_1:
0x56: {  	p0 =	sne.s32 s30, $0x1;
	s30 =	sadd.s32 $0xFFFFFFFF, s30;
	[sflag:s6] =	ssyncadd.s32 $0xFFFFF000  }
0x57: {  	[spmem:s7], [sflag:s5] =	dma.local [hbm:s4], $0x1000  }
0x58: {  	_ =	swait.ge [sflag:s6], $0x1000  }
0x59: {  	[sflag:s6] =	ssyncset.done $0x0  }
0x5a: {  	[sflag:s6] =	ssyncadd.s32 $0xFFFFF000  }
0x5b: {  	[bflag:$0x0] =	sbarrier.arrive $0xFFFF  }
0x5c: {  	[tilespmem:s3], [sflag:$0x3] =	stream.linear.gather [hbm4b:s8+s3], $0x400, $0x38;
	[tilespmem:$0x10400] =	vst v63  }
0x5d: {  	_ =	swait.ge [sflag:s6], $0x400  }
0x5e: {  	[sflag:s6] =	ssyncset.done $0x0  }
0x5f: {  	[sflag:s6] =	ssyncadd.s32 $0xFFFFFC00  }
0x60: {  	[tilespmem:s10], [sflag:$0x1] =	stream.linear.gather [hbm4b:s9+s3], $0x4000, $0x38;
	[tilespmem:$0x10400] =	vst v63  }
0x61: {  	_ = 	snop  }
0x62: {  	[tilespmem:s12], [sflag:$0x2] =	stream.linear.gather [hbm4b:s11+s3], $0x4000, $0x38;
	[tilespmem:$0x10400] =	vst v63  }
0x63: {  	_ =	swait.ge [sflag:s13], $0x4000  }
0x64: {  	[sflag:s13] =	ssyncset.done $0x0  }
0x65: {  	[sflag:s13] =	ssyncadd.s32 $0xFFFFC000  }
0x66: {  	[spmem:s2] =	stream.indirect.scatter.add.f32 [tilespmem:s10], [sflag:$0x3], $0x80, s3, s14, $0xb8;
	[tilespmem:$0x10400] =	vst v63  }
0x67: {  	_ =	swait.ge [sflag:s6], $0x4000  }
0x68: {  	[sflag:s6] =	ssyncset.done $0x0  }
0x69: {  	[sflag:s6] =	ssyncadd.s32 $0xFFFFC000  }
0x6a: {  	[tilespmem:s10], [sflag:$0x1] =	stream.linear.gather [hbm4b:s15+s3], $0x4000, $0x38;
	[tilespmem:$0x10400] =	vst v63  }
0x6b: {  	_ =	swait.ge [sflag:s16], $0x4000  }
0x6c: {  	[sflag:s16] =	ssyncset.done $0x0  }
0x6d: {  	[sflag:s16] =	ssyncadd.s32 $0xFFFFC000  }
0x6e: {  	[spmem:s2] =	stream.indirect.scatter.add.f32 [tilespmem:s12], [sflag:$0x3], $0x80, s14, s14, $0xb8;
	[tilespmem:$0x10400] =	vst v63  }
0x6f: {  	_ =	swait.ge [sflag:s6], $0x4000  }
0x70: {  	[sflag:s6] =	ssyncset.done $0x0  }
0x71: {  	[sflag:s6] =	ssyncadd.s32 $0xFFFFC000  }
0x72: {  	[tilespmem:s12], [sflag:$0x2] =	stream.linear.gather [hbm4b:s17+s3], $0x4000, $0x38;
	[tilespmem:$0x10400] =	vst v63  }
0x73: {  	_ =	swait.ge [sflag:s13], $0x4000  }
0x74: {  	[sflag:s13] =	ssyncset.done $0x0  }
0x75: {  	[sflag:s13] =	ssyncadd.s32 $0xFFFFC000  }
0x76: {  	[spmem:s2] =	stream.indirect.scatter.add.f32 [tilespmem:s10], [sflag:$0x3], $0x80, s18, s14, $0xb8;
	[tilespmem:$0x10400] =	vst v63  }
0x77: {  	_ =	swait.ge [sflag:s6], $0x4000  }
0x78: {  	[sflag:s6] =	ssyncset.done $0x0  }
0x79: {  	[sflag:s6] =	ssyncadd.s32 $0xFFFFC000  }
0x7a: {  	[tilespmem:s10], [sflag:$0x1] =	stream.linear.gather [hbm4b:s19+s3], $0x4000, $0x38;
	[tilespmem:$0x10400] =	vst v63  }
0x7b: {  	_ =	swait.ge [sflag:s16], $0x4000  }
0x7c: {  	[sflag:s16] =	ssyncset.done $0x0  }
0x7d: {  	[sflag:s16] =	ssyncadd.s32 $0xFFFFC000  }
0x7e: {  	[spmem:s2] =	stream.indirect.scatter.add.f32 [tilespmem:s12], [sflag:$0x3], $0x80, s20, s14, $0xb8;
	[tilespmem:$0x10400] =	vst v63  }
0x7f: {  	_ =	swait.ge [sflag:s6], $0x4000  }
0x80: {  	[sflag:s6] =	ssyncset.done $0x0  }
0x81: {  	[sflag:s6] =	ssyncadd.s32 $0xFFFFC000  }
0x82: {  	[tilespmem:s12], [sflag:$0x2] =	stream.linear.gather [hbm4b:s21+s3], $0x4000, $0x38;
	[tilespmem:$0x10400] =	vst v63  }
0x83: {  	_ =	swait.ge [sflag:s13], $0x4000  }
0x84: {  	[sflag:s13] =	ssyncset.done $0x0  }
0x85: {  	[sflag:s13] =	ssyncadd.s32 $0xFFFFC000  }
0x86: {  	[spmem:s2] =	stream.indirect.scatter.add.f32 [tilespmem:s10], [sflag:$0x3], $0x80, s22, s14, $0xb8;
	[tilespmem:$0x10400] =	vst v63  }
0x87: {  	_ =	swait.ge [sflag:s6], $0x4000  }
0x88: {  	[sflag:s6] =	ssyncset.done $0x0  }
0x89: {  	[sflag:s6] =	ssyncadd.s32 $0xFFFFC000  }
0x8a: {  	[tilespmem:s10], [sflag:$0x1] =	stream.linear.gather [hbm4b:s23+s3], $0x4000, $0x38;
	[tilespmem:$0x10400] =	vst v63  }
0x8b: {  	_ =	swait.ge [sflag:s16], $0x4000  }
0x8c: {  	[sflag:s16] =	ssyncset.done $0x0  }
0x8d: {  	[sflag:s16] =	ssyncadd.s32 $0xFFFFC000  }
0x8e: {  	[spmem:s2] =	stream.indirect.scatter.add.f32 [tilespmem:s12], [sflag:$0x3], $0x80, s24, s14, $0xb8;
	[tilespmem:$0x10400] =	vst v63  }
0x8f: {  	_ =	swait.ge [sflag:s6], $0x4000  }
0x90: {  	[sflag:s6] =	ssyncset.done $0x0  }
0x91: {  	[sflag:s6] =	ssyncadd.s32 $0xFFFFC000  }
0x92: {  	[tilespmem:s12], [sflag:$0x2] =	stream.linear.gather [hbm4b:s25+s3], $0x4000, $0x38;
	[tilespmem:$0x10400] =	vst v63  }
0x93: {  	_ =	swait.ge [sflag:s13], $0x4000  }
0x94: {  	[sflag:s13] =	ssyncset.done $0x0  }
0x95: {  	[sflag:s13] =	ssyncadd.s32 $0xFFFFC000  }
0x96: {  	[spmem:s2] =	stream.indirect.scatter.add.f32 [tilespmem:s10], [sflag:$0x3], $0x80, s26, s14, $0xb8;
	[tilespmem:$0x10400] =	vst v63  }
0x97: {  	_ =	swait.ge [sflag:s6], $0x4000  }
0x98: {  	[sflag:s6] =	ssyncset.done $0x0  }
0x99: {  	[sflag:s6] =	ssyncadd.s32 $0xFFFFC000  }
0x9a: {  	_ =	swait.ge [sflag:s16], $0x4000  }
0x9b: {  	[sflag:s16] =	ssyncset.done $0x0  }
0x9c: {  	[sflag:s16] =	ssyncadd.s32 $0xFFFFC000  }
0x9d: {  	[spmem:s2] =	stream.indirect.scatter.add.f32 [tilespmem:s12], [sflag:$0x3], $0x80, s28, s14, $0xb8;
	[tilespmem:$0x10400] =	vst v63  }
0x9e: {  	_ =	swait.ge [sflag:s6], $0x4000  }
0x9f: {  	[sflag:s6] =	ssyncset.done $0x0  }
.Ltmp1:
0xa0: {  	[sflag:s6] =	ssyncadd.s32 $0xFFFFC000;
	(pc) =	sbr.rel @p0 .LBB2_1-.Ltmp1, $4  }
0xa1: {  	[bflag:$0x0] =	sbarrier.arrive $0xFFFF  }
0xa2: {  	[hbm:s29], [sflag:s5] =	dma.local [spmem:s7], $0x1000  }
0xa3: {  	_ =	swait.ge [sflag:s6], $0x1000  }
0xa4: {  	[sflag:s6] =	ssyncset.done $0x0  }
.LBB2_2:
0xa5: {  	[sflag:s6] =	ssyncadd.s32 $0xFFFFF000  }
0xa6: {  	_ =	sfence.sel $0x180000  }
0xa7: {  	[bflag:$0x0] =	sbarrier.arrive $0xFFFF  }
0xa8: {  	_ =	strace $0x9000004A  }
0xa9: {  	[bflag:$0x2] =	sbarrier.arrive $0xFFFF  }
0xaa: {  	p0 =	sne.s32 s1, $0x0;
	s0 =	rddreg [dreg:$0x3]  }
0xab: {  	s0 =	sadd.s32 @!p0 $0x100000, s0  }
0xac: {  	[sflag:s0] =	ssyncadd.tile.s32 @!p0 $0x1;
	_ =	shalt  }
.Lfunc_end2:
_tile_overlayer_lowered:
.L_overlay_start_2:
0xad: {  	(tag) =	ssettag $0x2  }
0xae: {  	s0 =	rddreg [dreg:$0x0];
	s2 =	stileid.u32  }
0xaf: {  	s1 =	rddreg [dreg:$0x1];
	p0 =	sne.s32 s2, $0x0  }
0xb0: {  	s3 =	rddreg [dreg:$0x2];
	[bflag:$0x3] =	sbarrier.arrive $0xFFFF;
	s2 =	simm.s32 @!p0 $0x1C03  }
0xb1: {  	[timem:s3], [sflag:s2] =	dma.local @!p0 [hbm:s0], s1  }
0xb2: {  	s0 =	simm.s32 @!p0 $0x3  }
0xb3: {  	_ =	swait.ge @!p0 [sflag:s0], s1  }
0xb4: {  	s1 =	ssub.s32 @!p0 $0x0, s1;
	[sflag:s0] =	ssyncset.done @!p0 $0x0  }
0xb5: {  	[sflag:s0] =	ssyncadd.s32 @!p0 s1  }
0xb6: {  	[bflag:$0x3] =	sbarrier.arrive $0xFFFF  }
0xb7: {  	_ =	shalt  }

</sc_bundles>
